<compile_context>
chip_gen: v7x
topology: tpu7x:2x2x1
jax: 0.10.2.dev20260603
libtpu: 0.0.44.dev20260713+nightly
codegen_flags: <defaults>
</compile_context>

<pallas_src>
import functools

import jax
import jax.numpy as jnp
from jax import lax
from jax.experimental import pallas as pl
from jax.experimental.pallas import tpu as pltpu
from jax.experimental.pallas import tpu_sc as plsc

_K = 100
_NITER = 8
_IDX_CHUNK = 128


def _gather_rows(codebook, codes):
    n, d = codes.shape[0], codebook.shape[1]
    info = plsc.get_sparse_core_info()
    nw = info.num_cores * info.num_subcores
    b_per_w = n // nw
    mesh = plsc.VectorSubcoreMesh(core_axis_name="c", subcore_axis_name="s")

    @functools.partial(
        pl.kernel, mesh=mesh,
        out_type=jax.ShapeDtypeStruct((n, d), jnp.float32),
        scratch_types=[
            pltpu.VMEM((b_per_w,), jnp.int32),
            pltpu.VMEM((b_per_w, d), jnp.float32),
            pltpu.SemaphoreType.DMA,
        ],
    )
    def gather(table_hbm, idx_hbm, out_hbm, idx_v, rows_v, sem):
        wid = lax.axis_index("s") * info.num_cores + lax.axis_index("c")
        base = wid * b_per_w
        pltpu.sync_copy(idx_hbm.at[pl.ds(base, b_per_w)], idx_v)
        copies = [
            pltpu.async_copy(
                table_hbm.at[idx_v.at[pl.ds(j * _IDX_CHUNK, _IDX_CHUNK)]],
                rows_v.at[pl.ds(j * _IDX_CHUNK, _IDX_CHUNK)],
                sem)
            for j in range(b_per_w // _IDX_CHUNK)
        ]
        for cp in copies:
            cp.wait()
        pltpu.sync_copy(rows_v, out_hbm.at[pl.ds(base, b_per_w)])

    return gather(codebook, codes)


def _matmul_phase(emb_ref, g_ref, cbt_ref, b2_ref, sq_ref, sc_ref):
    emb = emb_ref[...]
    a2 = jnp.sum(emb * emb, axis=1, keepdims=True)
    prod = jax.lax.dot_general(
        emb, cbt_ref[...], (((1,), (0,)), ((), ())),
        preferred_element_type=jnp.float32)
    sq_ref[...] = jnp.maximum(a2 + b2_ref[...] - 2.0 * prod, 0.0)
    g = g_ref[...]
    g2 = jnp.sum(g * g, axis=1, keepdims=True)
    eg = jnp.sum(emb * g, axis=1, keepdims=True)
    sc_ref[...] = jnp.maximum(a2 + g2 - 2.0 * eg, 0.0)


def _select_phase(codes_ref, sq_ref, sc_ref, out_ref, *, n_rows, n_cb):
    sq = sq_ref[...]
    m = jnp.min(sq, axis=1, keepdims=True)
    big = jnp.max(sq, axis=1, keepdims=True)

    def _bisect(_, carry):
        lo, hi, cl = carry
        mid = 0.5 * (lo + hi)
        cnt = jnp.sum(jnp.where(sq_ref[...] <= mid, 1.0, 0.0),
                      axis=1, keepdims=True)
        ge = cnt >= _K
        return (jnp.where(ge, lo, mid), jnp.where(ge, mid, hi),
                jnp.where(ge, cl, cnt))

    lo0 = m - (1e-6 * m + 1e-30)
    lo, hi, cnt_lo = jax.lax.fori_loop(
        0, _NITER, _bisect, (lo0, big, jnp.zeros_like(m)))

    sqv = sq_ref[...]
    dmin = jnp.sqrt(m)
    e_in = jnp.sum(jnp.where(sqv <= lo, jnp.exp(dmin - jnp.sqrt(sqv)), 0.0),
                   axis=1, keepdims=True)
    iota = jax.lax.broadcasted_iota(jnp.int32, (n_rows, n_cb), 1)
    amin = jnp.min(jnp.where(sqv == m, iota, n_cb), axis=1, keepdims=True)
    e_thr = jnp.exp(dmin - jnp.sqrt(hi))
    e_sum = e_in + (_K - cnt_lo) * e_thr

    sq_c = sc_ref[...]
    codes = codes_ref[...]
    d_c = jnp.sqrt(sq_c)
    member = sq_c <= hi
    e_final = jnp.where(member, e_sum, e_sum - e_thr + jnp.exp(dmin - d_c))
    loss_rows = (d_c - dmin) + jnp.log(e_final)
    acc_rows = jnp.where(amin == codes, 1.0, 0.0)

    lane = jax.lax.broadcasted_iota(jnp.int32, (1, 128), 1)
    contrib = (jnp.where(lane == 0, jnp.sum(loss_rows), 0.0)
               + jnp.where(lane == 1, jnp.sum(acc_rows), 0.0)
               + jnp.where(lane == 2, float(n_rows), 0.0))
    out_ref[...] += contrib


def _body(codes_ref, emb_ref, cbt_ref, g_ref, out_ref,
          sq_a, sq_b, sc_a, sc_b, b2_ref, *, n_rows, n_cb):
    i = pl.program_id(0)
    nr = pl.num_programs(0) - 1

    @pl.when(i == 0)
    def _init():
        cbt = cbt_ref[...]
        b2_ref[...] = jnp.sum(cbt * cbt, axis=0, keepdims=True)
        out_ref[...] = jnp.zeros_like(out_ref)

    @pl.when(jnp.logical_and(i < nr, i % 2 == 0))
    def _m_even():
        _matmul_phase(emb_ref, g_ref, cbt_ref, b2_ref, sq_a, sc_a)

    @pl.when(jnp.logical_and(i < nr, i % 2 == 1))
    def _m_odd():
        _matmul_phase(emb_ref, g_ref, cbt_ref, b2_ref, sq_b, sc_b)

    sel = functools.partial(_select_phase, codes_ref, out_ref=out_ref,
                            n_rows=n_rows, n_cb=n_cb)

    @pl.when(jnp.logical_and(i > 0, i % 2 == 1))
    def _s_even():
        sel(sq_ref=sq_a, sc_ref=sc_a)

    @pl.when(jnp.logical_and(i > 0, i % 2 == 0))
    def _s_odd():
        sel(sq_ref=sq_b, sc_ref=sc_b)


def kernel(student_emb, teacher_codes, codebook):
    b, c, t_emb = student_emb.shape
    t = min(t_emb, teacher_codes.shape[1])
    emb_flat = jnp.transpose(student_emb[:, :, :t], (0, 2, 1)).reshape(-1, c)
    codes_flat = teacher_codes[:, :t].reshape(-1).astype(jnp.int32)
    n = emb_flat.shape[0]
    n_cb = codebook.shape[0]
    cbt = codebook.T

    gathered = _gather_rows(codebook, codes_flat)

    r_b = 256
    while n % r_b:
        r_b //= 2
    nr = n // r_b

    body = functools.partial(_body, n_rows=r_b, n_cb=n_cb)
    mm_idx = lambda i: (jnp.minimum(i, nr - 1), 0)
    sel_idx = lambda i: (jnp.maximum(i - 1, 0), 0)
    out = pl.pallas_call(
        body,
        grid=(nr + 1,),
        in_specs=[
            pl.BlockSpec((r_b, 1), sel_idx),
            pl.BlockSpec((r_b, c), mm_idx),
            pl.BlockSpec((c, n_cb), lambda i: (0, 0)),
            pl.BlockSpec((r_b, c), mm_idx),
        ],
        out_specs=pl.BlockSpec((1, 128), lambda i: (0, 0)),
        out_shape=jax.ShapeDtypeStruct((1, 128), jnp.float32),
        scratch_shapes=[
            pltpu.VMEM((r_b, n_cb), jnp.float32),
            pltpu.VMEM((r_b, n_cb), jnp.float32),
            pltpu.VMEM((r_b, 1), jnp.float32),
            pltpu.VMEM((r_b, 1), jnp.float32),
            pltpu.VMEM((1, n_cb), jnp.float32),
        ],
        compiler_params=pltpu.CompilerParams(
            dimension_semantics=("arbitrary",)),
    )(codes_flat.reshape(-1, 1), emb_flat, cbt, gathered)

    inv_n = 1.0 / n
    loss = out[0, 0] * inv_n
    acc = out[0, 1] * inv_n
    cic = out[0, 2] * inv_n
    return (loss, acc, acc, cic)

# --- scband reference (transcript-rebuilt; emitter-appended) ---
"""Pipeline reference for scband-hard-negative-celoss-74758200754290 (READ-ONLY COPY).

The authoritative reference and input builder live on the scoring server;
editing this copy changes nothing except your own understanding.
"""

import jax, jax.numpy as jnp
import numpy as np

K = 100
TEMPERATURE = 1.0
INCLUDE_CORRECT = True


def setup_inputs(seed: int = 0) -> dict:
    key = jax.random.key(seed)
    k1, k2, k3 = jax.random.split(key, 3)
    student_emb = jax.random.normal(k1, (8, 256, 1024), dtype=jnp.float32)
    teacher_codes = jax.random.randint(k2, (8, 1024), 0, 8192, dtype=jnp.int32)
    codebook = jax.random.normal(k3, (8192, 256), dtype=jnp.float32)
    return {"student_emb": student_emb, "teacher_codes": teacher_codes, "codebook": codebook}


def _cdist(a, b):
    # torch.cdist p=2: sqrt(||a||^2 + ||b||^2 - 2 a.b)
    a2 = jnp.sum(a * a, axis=1, keepdims=True)
    b2 = jnp.sum(b * b, axis=1, keepdims=True)
    sq = a2 + b2.T - 2.0 * (a @ b.T)
    return jnp.sqrt(jnp.maximum(sq, 0.0))


def reference(student_emb, teacher_codes, codebook):
    B, C, T_emb = student_emb.shape
    T_code = teacher_codes.shape[1]
    T = min(T_emb, T_code)
    student_emb = student_emb[:, :, :T]
    teacher_codes = teacher_codes[:, :T]
    emb_flat = jnp.transpose(student_emb, (0, 2, 1)).reshape(-1, C)
    codes_flat = teacher_codes.reshape(-1).astype(jnp.int32)

    distances = _cdist(emb_flat, codebook)
    # smallest-k distances via top_k on negated distances
    _, top_k_indices = jax.lax.top_k(-distances, K)
    top_k_indices = top_k_indices.astype(jnp.int32)

    if INCLUDE_CORRECT:
        correct_in_topk = jnp.any(top_k_indices == codes_flat[:, None], axis=1)
        last_col = jnp.where(correct_in_topk, top_k_indices[:, -1], codes_flat)
        top_k_indices = top_k_indices.at[:, -1].set(last_col)

    candidate_distances = jnp.take_along_axis(distances, top_k_indices, axis=1)
    logits = -candidate_distances / TEMPERATURE
    match = (top_k_indices == codes_flat[:, None])
    local_labels = jnp.argmax(match, axis=1)

    logp = jax.nn.log_softmax(logits, axis=1)
    loss = -jnp.take_along_axis(logp, local_labels[:, None], axis=1).mean()

    local_predictions = jnp.argmax(logits, axis=-1)
    local_accuracy = (local_predictions == local_labels).astype(jnp.float32).mean()
    global_predictions = jnp.argmin(distances, axis=-1)
    global_accuracy = (global_predictions == codes_flat).astype(jnp.float32).mean()
    correct_in_candidates = jnp.any(match, axis=1).astype(jnp.float32).mean()

    return (loss, local_accuracy, global_accuracy, correct_in_candidates)

if __name__ == "__main__":
    import jax
    _d = setup_inputs()
    print(jax.jit(kernel)(*tuple(_d.values())))

</pallas_src>

<mosaic_0001>
#map = affine_map<(d0, d1) -> (0, 0)>
#map1 = affine_map<(d0, d1) -> (0)>
module attributes {stable_mosaic.version = 14 : i64} {
  func.func @gather(%arg0: i32, %arg1: i32, %arg2: memref<8192x256xf32, #tpu.memory_space<hbm>>, %arg3: memref<8192xi32, #tpu.memory_space<hbm>>, %arg4: memref<8192x256xf32, #tpu.memory_space<hbm>>, %arg5: memref<256xi32, #tpu.memory_space<vmem>>, %arg6: memref<256x256xf32, #tpu.memory_space<vmem>>, %arg7: memref<!tpu.dma_semaphore, #tpu.memory_space<semaphore_mem>>) attributes {dimension_semantics = [#tpu.dimension_semantics<core_parallel>, #tpu.dimension_semantics<subcore_parallel>], iteration_bounds = array<i64: 2, 16>, scalar_prefetch = 0 : i64, scratch_operands = 3 : i64, tpu.core_type = #tpu.core_type<sc_vector_subcore>, window_params = [{transform_indices = #map}, {transform_indices = #map1}, {transform_indices = #map}]} {
    %mul3A = arith.constant 2 : i32
    %mul3A_0 = arith.muli %arg1, %mul3A : i32
    %add3A = arith.addi %mul3A_0, %arg0 : i32
    %mul3A_1 = arith.constant 256 : i32
    %mul3A_2 = arith.muli %add3A, %mul3A_1 : i32
    "tpu.region"() ({
      %run_scoped3A = tpu.sem_alloc : memref<!tpu.dma_semaphore, #tpu.memory_space<semaphore_mem>>
      %dma_start3A_33 = tpu.memref_slice %arg3[%mul3A_2] : memref<8192xi32, #tpu.memory_space<hbm>> -> memref<256xi32, #tpu.memory_space<hbm>>
      %dma_start3A_34 = tpu.memref_slice %arg3[%mul3A_2] : memref<8192xi32, #tpu.memory_space<hbm>> -> memref<256xi32, #tpu.memory_space<hbm>>
      tpu.enqueue_dma source(%dma_start3A_34 : memref<256xi32, #tpu.memory_space<hbm>>) target(%arg5 : memref<256xi32, #tpu.memory_space<vmem>>) target_semaphore(%run_scoped3A : memref<!tpu.dma_semaphore, #tpu.memory_space<semaphore_mem>>)
      %dma_wait3A_35 = tpu.memref_slice %arg3[%mul3A_2] : memref<8192xi32, #tpu.memory_space<hbm>> -> memref<256xi32, #tpu.memory_space<hbm>>
      %dma_wait3A_36 = tpu.memref_slice %arg3[%mul3A_2] : memref<8192xi32, #tpu.memory_space<hbm>> -> memref<256xi32, #tpu.memory_space<hbm>>
      tpu.wait_dma2 semaphore(%run_scoped3A : memref<!tpu.dma_semaphore, #tpu.memory_space<semaphore_mem>>) src(%dma_wait3A_36 : memref<256xi32, #tpu.memory_space<hbm>>) dst(%arg5 : memref<256xi32, #tpu.memory_space<vmem>>)
      tpu.yield
    }) : () -> ()
    %dma_start3A = arith.constant 0 : i32
    %dma_start3A_3 = arith.constant 0 : i32
    %dma_start3A_4 = tpu.memref_slice %arg6[%dma_start3A, %dma_start3A_3] : memref<256x256xf32, #tpu.memory_space<vmem>> -> memref<128x256xf32, #tpu.memory_space<vmem>>
    %dma_start3A_5 = arith.constant 0 : i32
    %dma_start3A_6 = tpu.memref_slice %arg5[%dma_start3A_5] : memref<256xi32, #tpu.memory_space<vmem>> -> memref<128xi32, #tpu.memory_space<vmem>>
    %dma_start3A_7 = arith.constant 0 : i32
    %dma_start3A_8 = arith.constant 0 : i32
    %dma_start3A_9 = tpu.memref_slice %arg2[%dma_start3A_7, %dma_start3A_8] : memref<8192x256xf32, #tpu.memory_space<hbm>> -> memref<8192x256xf32, #tpu.memory_space<hbm>>
    tpu.enqueue_indirect_dma source(%dma_start3A_9 : memref<8192x256xf32, #tpu.memory_space<hbm>>) target(%dma_start3A_4 : memref<128x256xf32, #tpu.memory_space<vmem>>) offsets(%dma_start3A_6 : memref<128xi32, #tpu.memory_space<vmem>>) semaphore(%arg7 : memref<!tpu.dma_semaphore, #tpu.memory_space<semaphore_mem>>)
    %dma_start3A_10 = arith.constant 128 : i32
    %dma_start3A_11 = arith.constant 0 : i32
    %dma_start3A_12 = tpu.memref_slice %arg6[%dma_start3A_10, %dma_start3A_11] : memref<256x256xf32, #tpu.memory_space<vmem>> -> memref<128x256xf32, #tpu.memory_space<vmem>>
    %dma_start3A_13 = arith.constant 128 : i32
    %dma_start3A_14 = tpu.memref_slice %arg5[%dma_start3A_13] : memref<256xi32, #tpu.memory_space<vmem>> -> memref<128xi32, #tpu.memory_space<vmem>>
    %dma_start3A_15 = arith.constant 0 : i32
    %dma_start3A_16 = arith.constant 0 : i32
    %dma_start3A_17 = tpu.memref_slice %arg2[%dma_start3A_15, %dma_start3A_16] : memref<8192x256xf32, #tpu.memory_space<hbm>> -> memref<8192x256xf32, #tpu.memory_space<hbm>>
    tpu.enqueue_indirect_dma source(%dma_start3A_17 : memref<8192x256xf32, #tpu.memory_space<hbm>>) target(%dma_start3A_12 : memref<128x256xf32, #tpu.memory_space<vmem>>) offsets(%dma_start3A_14 : memref<128xi32, #tpu.memory_space<vmem>>) semaphore(%arg7 : memref<!tpu.dma_semaphore, #tpu.memory_space<semaphore_mem>>)
    %dma_wait3A = arith.constant 0 : i32
    %dma_wait3A_18 = arith.constant 0 : i32
    %dma_wait3A_19 = tpu.memref_slice %arg6[%dma_wait3A, %dma_wait3A_18] : memref<256x256xf32, #tpu.memory_space<vmem>> -> memref<128x256xf32, #tpu.memory_space<vmem>>
    %dma_wait3A_20 = arith.constant 0 : i32
    %dma_wait3A_21 = tpu.memref_slice %arg5[%dma_wait3A_20] : memref<256xi32, #tpu.memory_space<vmem>> -> memref<128xi32, #tpu.memory_space<vmem>>
    %dma_wait3A_22 = arith.constant 0 : i32
    %dma_wait3A_23 = arith.constant 0 : i32
    %dma_wait3A_24 = tpu.memref_slice %arg2[%dma_wait3A_22, %dma_wait3A_23] : memref<8192x256xf32, #tpu.memory_space<hbm>> -> memref<8192x256xf32, #tpu.memory_space<hbm>>
    tpu.wait_indirect_dma semaphore(%arg7 : memref<!tpu.dma_semaphore, #tpu.memory_space<semaphore_mem>>) src(%dma_wait3A_24 : memref<8192x256xf32, #tpu.memory_space<hbm>>) dst(%dma_wait3A_19 : memref<128x256xf32, #tpu.memory_space<vmem>>)
    %dma_wait3A_25 = arith.constant 128 : i32
    %dma_wait3A_26 = arith.constant 0 : i32
    %dma_wait3A_27 = tpu.memref_slice %arg6[%dma_wait3A_25, %dma_wait3A_26] : memref<256x256xf32, #tpu.memory_space<vmem>> -> memref<128x256xf32, #tpu.memory_space<vmem>>
    %dma_wait3A_28 = arith.constant 128 : i32
    %dma_wait3A_29 = tpu.memref_slice %arg5[%dma_wait3A_28] : memref<256xi32, #tpu.memory_space<vmem>> -> memref<128xi32, #tpu.memory_space<vmem>>
    %dma_wait3A_30 = arith.constant 0 : i32
    %dma_wait3A_31 = arith.constant 0 : i32
    %dma_wait3A_32 = tpu.memref_slice %arg2[%dma_wait3A_30, %dma_wait3A_31] : memref<8192x256xf32, #tpu.memory_space<hbm>> -> memref<8192x256xf32, #tpu.memory_space<hbm>>
    tpu.wait_indirect_dma semaphore(%arg7 : memref<!tpu.dma_semaphore, #tpu.memory_space<semaphore_mem>>) src(%dma_wait3A_32 : memref<8192x256xf32, #tpu.memory_space<hbm>>) dst(%dma_wait3A_27 : memref<128x256xf32, #tpu.memory_space<vmem>>)
    "tpu.region"() ({
      %run_scoped3A = tpu.sem_alloc : memref<!tpu.dma_semaphore, #tpu.memory_space<semaphore_mem>>
      %dma_start3A_33 = arith.constant 0 : i32
      %dma_start3A_34 = tpu.memref_slice %arg4[%mul3A_2, %dma_start3A_33] : memref<8192x256xf32, #tpu.memory_space<hbm>> -> memref<256x256xf32, #tpu.memory_space<hbm>>
      %dma_start3A_35 = arith.constant 0 : i32
      %dma_start3A_36 = tpu.memref_slice %arg4[%mul3A_2, %dma_start3A_35] : memref<8192x256xf32, #tpu.memory_space<hbm>> -> memref<256x256xf32, #tpu.memory_space<hbm>>
      tpu.enqueue_dma source(%arg6 : memref<256x256xf32, #tpu.memory_space<vmem>>) target(%dma_start3A_36 : memref<256x256xf32, #tpu.memory_space<hbm>>) target_semaphore(%run_scoped3A : memref<!tpu.dma_semaphore, #tpu.memory_space<semaphore_mem>>)
      %dma_wait3A_37 = arith.constant 0 : i32
      %dma_wait3A_38 = tpu.memref_slice %arg4[%mul3A_2, %dma_wait3A_37] : memref<8192x256xf32, #tpu.memory_space<hbm>> -> memref<256x256xf32, #tpu.memory_space<hbm>>
      %dma_wait3A_39 = arith.constant 0 : i32
      %dma_wait3A_40 = tpu.memref_slice %arg4[%mul3A_2, %dma_wait3A_39] : memref<8192x256xf32, #tpu.memory_space<hbm>> -> memref<256x256xf32, #tpu.memory_space<hbm>>
      tpu.wait_dma2 semaphore(%run_scoped3A : memref<!tpu.dma_semaphore, #tpu.memory_space<semaphore_mem>>) src(%arg6 : memref<256x256xf32, #tpu.memory_space<vmem>>) dst(%dma_wait3A_40 : memref<256x256xf32, #tpu.memory_space<hbm>>)
      tpu.yield
    }) : () -> ()
    return
  }
}

module attributes {stable_mosaic.version = 14 : i64} {
  func.func @_body(%arg0: i32, %arg1: memref<256x1xi32, #tpu.memory_space<vmem>>, %arg2: memref<256x256xf32, #tpu.memory_space<vmem>>, %arg3: memref<256x8192xf32, #tpu.memory_space<vmem>>, %arg4: memref<256x256xf32, #tpu.memory_space<vmem>>, %arg5: memref<1x128xf32, #tpu.memory_space<vmem>>, %arg6: memref<256x8192xf32, #tpu.memory_space<vmem>>, %arg7: memref<256x8192xf32, #tpu.memory_space<vmem>>, %arg8: memref<256x1xf32, #tpu.memory_space<vmem>>, %arg9: memref<256x1xf32, #tpu.memory_space<vmem>>, %arg10: memref<1x8192xf32, #tpu.memory_space<vmem>>) attributes {dimension_semantics = [#tpu.dimension_semantics<arbitrary>], iteration_bounds = array<i64: 33>, scalar_prefetch = 0 : i64, scratch_operands = 5 : i64, tpu.core_type = #tpu.core_type<tc>, window_params = [{transform_indices = @transform_0, window_bounds = array<i64: 256, 1>}, {transform_indices = @transform_1, window_bounds = array<i64: 256, 256>}, {pipeline_mode = #tpu.pipeline_mode<synchronous>, transform_indices = @transform_2, window_bounds = array<i64: 256, 8192>}, {transform_indices = @transform_3, window_bounds = array<i64: 256, 256>}, {pipeline_mode = #tpu.pipeline_mode<synchronous>, transform_indices = @transform_4, window_bounds = array<i64: 1, 128>}]} {
    %eq3A = arith.constant 0 : i32
    %eq3A_0 = arith.cmpi eq, %arg0, %eq3A : i32
    %convert_element_type3A = arith.extui %eq3A_0 : i1 to i32
    %cond3A = arith.constant 0 : i32
    %cond3A_1 = arith.cmpi ne, %convert_element_type3A, %cond3A : i32
    scf.if %cond3A_1 {
      %get3A = arith.constant 0 : index
      %get3A_90 = arith.constant 0 : index
      %get3A_91 = vector.load %arg3[%get3A, %get3A_90] : memref<256x8192xf32, #tpu.memory_space<vmem>>, vector<256x8192xf32>
      %mul3A = arith.mulf %get3A_91, %get3A_91 : vector<256x8192xf32>
      %reduce_sum3A = arith.constant dense<0.000000e+00> : vector<8192xf32>
      %reduce_sum3A_92 = vector.multi_reduction <add>, %mul3A, %reduce_sum3A [0] : vector<256x8192xf32> to vector<8192xf32>
      %broadcast_in_dim3A = vector.shape_cast %reduce_sum3A_92 : vector<8192xf32> to vector<1x8192xf32>
      %swap3A = arith.constant 0 : index
      %swap3A_93 = arith.constant 0 : index
      %swap3A_94 = vector.load %arg10[%swap3A, %swap3A_93] : memref<1x8192xf32, #tpu.memory_space<vmem>>, vector<1x8192xf32>
      tpu.vector_store %arg10[%swap3A, %swap3A_93], %broadcast_in_dim3A {strides = array<i32>} : memref<1x8192xf32, #tpu.memory_space<vmem>>, vector<1x8192xf32>,
      %broadcast_in_dim3A_95 = arith.constant 0.000000e+00 : f32
      %broadcast_in_dim3A_96 = vector.broadcast %broadcast_in_dim3A_95 : f32 to vector<1x128xf32>
      %swap3A_97 = arith.constant 0 : index
      %swap3A_98 = arith.constant 0 : index
      %swap3A_99 = vector.load %arg5[%swap3A_97, %swap3A_98] : memref<1x128xf32, #tpu.memory_space<vmem>>, vector<1x128xf32>
      tpu.vector_store %arg5[%swap3A_97, %swap3A_98], %broadcast_in_dim3A_96 {strides = array<i32>} : memref<1x128xf32, #tpu.memory_space<vmem>>, vector<1x128xf32>,
    } else {
    }
    %lt3A = arith.constant 32 : i32
    %lt3A_2 = arith.cmpi slt, %arg0, %lt3A : i32
    %jit3A = arith.constant 2 : i32
    %eq3A_3 = arith.constant 0 : i32
    %eq3A_4 = arith.cmpi eq, %jit3A, %eq3A_3 : i32
    %jit3A_5 = arith.constant 1 : i32
    %select_n3A = arith.select %eq3A_4, %jit3A_5, %jit3A : i32
    %rem3A = arith.remsi %arg0, %select_n3A : i32
    %ne3A = arith.constant 0 : i32
    %ne3A_6 = arith.cmpi ne, %rem3A, %ne3A : i32
    %lt3A_7 = arith.constant 0 : i32
    %lt3A_8 = arith.cmpi slt, %rem3A, %lt3A_7 : i32
    %lt3A_9 = arith.constant 0 : i32
    %lt3A_10 = arith.cmpi slt, %select_n3A, %lt3A_9 : i32
    %ne3A_11 = arith.xori %lt3A_8, %lt3A_10 : i1
    %and3A = arith.andi %ne3A_11, %ne3A_6 : i1
    %add3A = arith.addi %rem3A, %select_n3A : i32
    %select_n3A_12 = arith.select %and3A, %add3A, %rem3A : i32
    %eq3A_13 = arith.constant 0 : i32
    %eq3A_14 = arith.cmpi eq, %select_n3A_12, %eq3A_13 : i32
    %and3A_15 = arith.andi %lt3A_2, %eq3A_14 : i1
    %convert_element_type3A_16 = arith.extui %and3A_15 : i1 to i32
    %cond3A_17 = arith.constant 0 : i32
    %cond3A_18 = arith.cmpi ne, %convert_element_type3A_16, %cond3A_17 : i32
    scf.if %cond3A_18 {
      %get3A = arith.constant 0 : index
      %get3A_90 = arith.constant 0 : index
      %get3A_91 = vector.load %arg2[%get3A, %get3A_90] : memref<256x256xf32, #tpu.memory_space<vmem>>, vector<256x256xf32>
      %mul3A = arith.mulf %get3A_91, %get3A_91 : vector<256x256xf32>
      %reduce_sum3A = arith.constant dense<0.000000e+00> : vector<256xf32>
      %reduce_sum3A_92 = vector.multi_reduction <add>, %mul3A, %reduce_sum3A [1] : vector<256x256xf32> to vector<256xf32>
      %broadcast_in_dim3A = vector.shape_cast %reduce_sum3A_92 : vector<256xf32> to vector<256x1xf32>
      %get3A_93 = arith.constant 0 : index
      %get3A_94 = arith.constant 0 : index
      %get3A_95 = vector.load %arg3[%get3A_93, %get3A_94] : memref<256x8192xf32, #tpu.memory_space<vmem>>, vector<256x8192xf32>
      %dot_general3A = arith.constant dense<0.000000e+00> : vector<256x8192xf32>
      %dot_general3A_96 = tpu.matmul %get3A_91, %get3A_95, %dot_general3A {dimension_numbers = #tpu.dot_dimension_numbers<[1], [0], [0], [1], [0, 0, 1, 1], [], []>, transpose_lhs_hint = false} : vector<256x256xf32>, vector<256x8192xf32>, vector<256x8192xf32> -> vector<256x8192xf32>
      %get3A_97 = arith.constant 0 : index
      %get3A_98 = arith.constant 0 : index
      %get3A_99 = vector.load %arg10[%get3A_97, %get3A_98] : memref<1x8192xf32, #tpu.memory_space<vmem>>, vector<1x8192xf32>
      %add3A_100 = vector.broadcast %broadcast_in_dim3A : vector<256x1xf32> to vector<256x8192xf32>
      %add3A_101 = vector.broadcast %get3A_99 : vector<1x8192xf32> to vector<256x8192xf32>
      %add3A_102 = arith.addf %add3A_100, %add3A_101 : vector<256x8192xf32>
      %mul3A_103 = arith.constant 2.000000e+00 : f32
      %mul3A_104 = vector.broadcast %mul3A_103 : f32 to vector<256x8192xf32>
      %mul3A_105 = arith.mulf %mul3A_104, %dot_general3A_96 : vector<256x8192xf32>
      %sub3A = arith.subf %add3A_102, %mul3A_105 : vector<256x8192xf32>
      %max3A = arith.constant 0.000000e+00 : f32
      %max3A_106 = vector.broadcast %max3A : f32 to vector<256x8192xf32>
      %max3A_107 = arith.maximumf %sub3A, %max3A_106 : vector<256x8192xf32>
      %swap3A = arith.constant 0 : index
      %swap3A_108 = arith.constant 0 : index
      %swap3A_109 = vector.load %arg6[%swap3A, %swap3A_108] : memref<256x8192xf32, #tpu.memory_space<vmem>>, vector<256x8192xf32>
      tpu.vector_store %arg6[%swap3A, %swap3A_108], %max3A_107 {strides = array<i32>} : memref<256x8192xf32, #tpu.memory_space<vmem>>, vector<256x8192xf32>,
      %get3A_110 = arith.constant 0 : index
      %get3A_111 = arith.constant 0 : index
      %get3A_112 = vector.load %arg4[%get3A_110, %get3A_111] : memref<256x256xf32, #tpu.memory_space<vmem>>, vector<256x256xf32>
      %mul3A_113 = arith.mulf %get3A_112, %get3A_112 : vector<256x256xf32>
      %reduce_sum3A_114 = arith.constant dense<0.000000e+00> : vector<256xf32>
      %reduce_sum3A_115 = vector.multi_reduction <add>, %mul3A_113, %reduce_sum3A_114 [1] : vector<256x256xf32> to vector<256xf32>
      %broadcast_in_dim3A_116 = vector.shape_cast %reduce_sum3A_115 : vector<256xf32> to vector<256x1xf32>
      %mul3A_117 = arith.mulf %get3A_91, %get3A_112 : vector<256x256xf32>
      %reduce_sum3A_118 = arith.constant dense<0.000000e+00> : vector<256xf32>
      %reduce_sum3A_119 = vector.multi_reduction <add>, %mul3A_117, %reduce_sum3A_118 [1] : vector<256x256xf32> to vector<256xf32>
      %broadcast_in_dim3A_120 = vector.shape_cast %reduce_sum3A_119 : vector<256xf32> to vector<256x1xf32>
      %add3A_121 = arith.addf %broadcast_in_dim3A, %broadcast_in_dim3A_116 : vector<256x1xf32>
      %mul3A_122 = arith.constant 2.000000e+00 : f32
      %mul3A_123 = vector.broadcast %mul3A_122 : f32 to vector<256x1xf32>
      %mul3A_124 = arith.mulf %mul3A_123, %broadcast_in_dim3A_120 : vector<256x1xf32>
      %sub3A_125 = arith.subf %add3A_121, %mul3A_124 : vector<256x1xf32>
      %max3A_126 = arith.constant 0.000000e+00 : f32
      %max3A_127 = vector.broadcast %max3A_126 : f32 to vector<256x1xf32>
      %max3A_128 = arith.maximumf %sub3A_125, %max3A_127 : vector<256x1xf32>
      %swap3A_129 = arith.constant 0 : index
      %swap3A_130 = arith.constant 0 : index
      %swap3A_131 = vector.load %arg8[%swap3A_129, %swap3A_130] : memref<256x1xf32, #tpu.memory_space<vmem>>, vector<256x1xf32>
      tpu.vector_store %arg8[%swap3A_129, %swap3A_130], %max3A_128 {strides = array<i32>} : memref<256x1xf32, #tpu.memory_space<vmem>>, vector<256x1xf32>,
    } else {
    }
    %lt3A_19 = arith.constant 32 : i32
    %lt3A_20 = arith.cmpi slt, %arg0, %lt3A_19 : i32
    %jit3A_21 = arith.constant 2 : i32
    %eq3A_22 = arith.constant 0 : i32
    %eq3A_23 = arith.cmpi eq, %jit3A_21, %eq3A_22 : i32
    %jit3A_24 = arith.constant 1 : i32
    %select_n3A_25 = arith.select %eq3A_23, %jit3A_24, %jit3A_21 : i32
    %rem3A_26 = arith.remsi %arg0, %select_n3A_25 : i32
    %ne3A_27 = arith.constant 0 : i32
    %ne3A_28 = arith.cmpi ne, %rem3A_26, %ne3A_27 : i32
    %lt3A_29 = arith.constant 0 : i32
    %lt3A_30 = arith.cmpi slt, %rem3A_26, %lt3A_29 : i32
    %lt3A_31 = arith.constant 0 : i32
    %lt3A_32 = arith.cmpi slt, %select_n3A_25, %lt3A_31 : i32
    %ne3A_33 = arith.xori %lt3A_30, %lt3A_32 : i1
    %and3A_34 = arith.andi %ne3A_33, %ne3A_28 : i1
    %add3A_35 = arith.addi %rem3A_26, %select_n3A_25 : i32
    %select_n3A_36 = arith.select %and3A_34, %add3A_35, %rem3A_26 : i32
    %eq3A_37 = arith.constant 1 : i32
    %eq3A_38 = arith.cmpi eq, %select_n3A_36, %eq3A_37 : i32
    %and3A_39 = arith.andi %lt3A_20, %eq3A_38 : i1
    %convert_element_type3A_40 = arith.extui %and3A_39 : i1 to i32
    %cond3A_41 = arith.constant 0 : i32
    %cond3A_42 = arith.cmpi ne, %convert_element_type3A_40, %cond3A_41 : i32
    scf.if %cond3A_42 {
      %get3A = arith.constant 0 : index
      %get3A_90 = arith.constant 0 : index
      %get3A_91 = vector.load %arg2[%get3A, %get3A_90] : memref<256x256xf32, #tpu.memory_space<vmem>>, vector<256x256xf32>
      %mul3A = arith.mulf %get3A_91, %get3A_91 : vector<256x256xf32>
      %reduce_sum3A = arith.constant dense<0.000000e+00> : vector<256xf32>
      %reduce_sum3A_92 = vector.multi_reduction <add>, %mul3A, %reduce_sum3A [1] : vector<256x256xf32> to vector<256xf32>
      %broadcast_in_dim3A = vector.shape_cast %reduce_sum3A_92 : vector<256xf32> to vector<256x1xf32>
      %get3A_93 = arith.constant 0 : index
      %get3A_94 = arith.constant 0 : index
      %get3A_95 = vector.load %arg3[%get3A_93, %get3A_94] : memref<256x8192xf32, #tpu.memory_space<vmem>>, vector<256x8192xf32>
      %dot_general3A = arith.constant dense<0.000000e+00> : vector<256x8192xf32>
      %dot_general3A_96 = tpu.matmul %get3A_91, %get3A_95, %dot_general3A {dimension_numbers = #tpu.dot_dimension_numbers<[1], [0], [0], [1], [0, 0, 1, 1], [], []>, transpose_lhs_hint = false} : vector<256x256xf32>, vector<256x8192xf32>, vector<256x8192xf32> -> vector<256x8192xf32>
      %get3A_97 = arith.constant 0 : index
      %get3A_98 = arith.constant 0 : index
      %get3A_99 = vector.load %arg10[%get3A_97, %get3A_98] : memref<1x8192xf32, #tpu.memory_space<vmem>>, vector<1x8192xf32>
      %add3A_100 = vector.broadcast %broadcast_in_dim3A : vector<256x1xf32> to vector<256x8192xf32>
      %add3A_101 = vector.broadcast %get3A_99 : vector<1x8192xf32> to vector<256x8192xf32>
      %add3A_102 = arith.addf %add3A_100, %add3A_101 : vector<256x8192xf32>
      %mul3A_103 = arith.constant 2.000000e+00 : f32
      %mul3A_104 = vector.broadcast %mul3A_103 : f32 to vector<256x8192xf32>
      %mul3A_105 = arith.mulf %mul3A_104, %dot_general3A_96 : vector<256x8192xf32>
      %sub3A = arith.subf %add3A_102, %mul3A_105 : vector<256x8192xf32>
      %max3A = arith.constant 0.000000e+00 : f32
      %max3A_106 = vector.broadcast %max3A : f32 to vector<256x8192xf32>
      %max3A_107 = arith.maximumf %sub3A, %max3A_106 : vector<256x8192xf32>
      %swap3A = arith.constant 0 : index
      %swap3A_108 = arith.constant 0 : index
      %swap3A_109 = vector.load %arg7[%swap3A, %swap3A_108] : memref<256x8192xf32, #tpu.memory_space<vmem>>, vector<256x8192xf32>
      tpu.vector_store %arg7[%swap3A, %swap3A_108], %max3A_107 {strides = array<i32>} : memref<256x8192xf32, #tpu.memory_space<vmem>>, vector<256x8192xf32>,
      %get3A_110 = arith.constant 0 : index
      %get3A_111 = arith.constant 0 : index
      %get3A_112 = vector.load %arg4[%get3A_110, %get3A_111] : memref<256x256xf32, #tpu.memory_space<vmem>>, vector<256x256xf32>
      %mul3A_113 = arith.mulf %get3A_112, %get3A_112 : vector<256x256xf32>
      %reduce_sum3A_114 = arith.constant dense<0.000000e+00> : vector<256xf32>
      %reduce_sum3A_115 = vector.multi_reduction <add>, %mul3A_113, %reduce_sum3A_114 [1] : vector<256x256xf32> to vector<256xf32>
      %broadcast_in_dim3A_116 = vector.shape_cast %reduce_sum3A_115 : vector<256xf32> to vector<256x1xf32>
      %mul3A_117 = arith.mulf %get3A_91, %get3A_112 : vector<256x256xf32>
      %reduce_sum3A_118 = arith.constant dense<0.000000e+00> : vector<256xf32>
      %reduce_sum3A_119 = vector.multi_reduction <add>, %mul3A_117, %reduce_sum3A_118 [1] : vector<256x256xf32> to vector<256xf32>
      %broadcast_in_dim3A_120 = vector.shape_cast %reduce_sum3A_119 : vector<256xf32> to vector<256x1xf32>
      %add3A_121 = arith.addf %broadcast_in_dim3A, %broadcast_in_dim3A_116 : vector<256x1xf32>
      %mul3A_122 = arith.constant 2.000000e+00 : f32
      %mul3A_123 = vector.broadcast %mul3A_122 : f32 to vector<256x1xf32>
      %mul3A_124 = arith.mulf %mul3A_123, %broadcast_in_dim3A_120 : vector<256x1xf32>
      %sub3A_125 = arith.subf %add3A_121, %mul3A_124 : vector<256x1xf32>
      %max3A_126 = arith.constant 0.000000e+00 : f32
      %max3A_127 = vector.broadcast %max3A_126 : f32 to vector<256x1xf32>
      %max3A_128 = arith.maximumf %sub3A_125, %max3A_127 : vector<256x1xf32>
      %swap3A_129 = arith.constant 0 : index
      %swap3A_130 = arith.constant 0 : index
      %swap3A_131 = vector.load %arg9[%swap3A_129, %swap3A_130] : memref<256x1xf32, #tpu.memory_space<vmem>>, vector<256x1xf32>
      tpu.vector_store %arg9[%swap3A_129, %swap3A_130], %max3A_128 {strides = array<i32>} : memref<256x1xf32, #tpu.memory_space<vmem>>, vector<256x1xf32>,
    } else {
    }
    %gt3A = arith.constant 0 : i32
    %gt3A_43 = arith.cmpi sgt, %arg0, %gt3A : i32
    %jit3A_44 = arith.constant 2 : i32
    %eq3A_45 = arith.constant 0 : i32
    %eq3A_46 = arith.cmpi eq, %jit3A_44, %eq3A_45 : i32
    %jit3A_47 = arith.constant 1 : i32
    %select_n3A_48 = arith.select %eq3A_46, %jit3A_47, %jit3A_44 : i32
    %rem3A_49 = arith.remsi %arg0, %select_n3A_48 : i32
    %ne3A_50 = arith.constant 0 : i32
    %ne3A_51 = arith.cmpi ne, %rem3A_49, %ne3A_50 : i32
    %lt3A_52 = arith.constant 0 : i32
    %lt3A_53 = arith.cmpi slt, %rem3A_49, %lt3A_52 : i32
    %lt3A_54 = arith.constant 0 : i32
    %lt3A_55 = arith.cmpi slt, %select_n3A_48, %lt3A_54 : i32
    %ne3A_56 = arith.xori %lt3A_53, %lt3A_55 : i1
    %and3A_57 = arith.andi %ne3A_56, %ne3A_51 : i1
    %add3A_58 = arith.addi %rem3A_49, %select_n3A_48 : i32
    %select_n3A_59 = arith.select %and3A_57, %add3A_58, %rem3A_49 : i32
    %eq3A_60 = arith.constant 1 : i32
    %eq3A_61 = arith.cmpi eq, %select_n3A_59, %eq3A_60 : i32
    %and3A_62 = arith.andi %gt3A_43, %eq3A_61 : i1
    %convert_element_type3A_63 = arith.extui %and3A_62 : i1 to i32
    %cond3A_64 = arith.constant 0 : i32
    %cond3A_65 = arith.cmpi ne, %convert_element_type3A_63, %cond3A_64 : i32
    scf.if %cond3A_65 {
      %get3A = arith.constant 0 : index
      %get3A_90 = arith.constant 0 : index
      %get3A_91 = vector.load %arg6[%get3A, %get3A_90] : memref<256x8192xf32, #tpu.memory_space<vmem>>, vector<256x8192xf32>
      %reduce_min3A = arith.constant dense<0x7F800000> : vector<256xf32>
      %reduce_min3A_92 = vector.multi_reduction <minimumf>, %get3A_91, %reduce_min3A [1] : vector<256x8192xf32> to vector<256xf32>
      %broadcast_in_dim3A = vector.shape_cast %reduce_min3A_92 : vector<256xf32> to vector<256x1xf32>
      %reduce_max3A = arith.constant dense<0xFF800000> : vector<256xf32>
      %reduce_max3A_93 = vector.multi_reduction <maximumf>, %get3A_91, %reduce_max3A [1] : vector<256x8192xf32> to vector<256xf32>
      %broadcast_in_dim3A_94 = vector.shape_cast %reduce_max3A_93 : vector<256xf32> to vector<256x1xf32>
      %mul3A = arith.constant 9.99999997E-7 : f32
      %mul3A_95 = vector.broadcast %mul3A : f32 to vector<256x1xf32>
      %mul3A_96 = arith.mulf %mul3A_95, %broadcast_in_dim3A : vector<256x1xf32>
      %add3A_97 = arith.constant 1.000000e-30 : f32
      %add3A_98 = vector.broadcast %add3A_97 : f32 to vector<256x1xf32>
      %add3A_99 = arith.addf %mul3A_96, %add3A_98 : vector<256x1xf32>
      %sub3A = arith.subf %broadcast_in_dim3A, %add3A_99 : vector<256x1xf32>
      %broadcast_in_dim3A_100 = arith.constant 0.000000e+00 : f32
      %broadcast_in_dim3A_101 = vector.broadcast %broadcast_in_dim3A_100 : f32 to vector<256x1xf32>
      %scan3A = arith.constant 0 : i32
      %scan3A_102 = arith.constant 8 : i32
      %scan3A_103 = arith.addi %scan3A, %scan3A_102 : i32
      %scan3A_104 = arith.constant 1 : i32
      %scan3A_105:3 = scf.for %scan3A_196 = %scan3A to %scan3A_103 step %scan3A_104 iter_args(%scan3A_197 = %sub3A, %scan3A_198 = %broadcast_in_dim3A_94, %scan3A_199 = %broadcast_in_dim3A_101) -> (vector<256x1xf32>, vector<256x1xf32>, vector<256x1xf32>)  : i32 {
        %add3A_200 = arith.addf %scan3A_197, %scan3A_198 : vector<256x1xf32>
        %mul3A_201 = arith.constant 5.000000e-01 : f32
        %mul3A_202 = vector.broadcast %mul3A_201 : f32 to vector<256x1xf32>
        %mul3A_203 = arith.mulf %mul3A_202, %add3A_200 : vector<256x1xf32>
        %get3A_204 = arith.constant 0 : index
        %get3A_205 = arith.constant 0 : index
        %get3A_206 = vector.load %arg6[%get3A_204, %get3A_205] : memref<256x8192xf32, #tpu.memory_space<vmem>>, vector<256x8192xf32>
        %le3A_207 = vector.broadcast %mul3A_203 : vector<256x1xf32> to vector<256x8192xf32>
        %le3A_208 = arith.cmpf ole, %get3A_206, %le3A_207 : vector<256x8192xf32>
        %jit3A_209 = arith.constant 1.000000e+00 : f32
        %jit3A_210 = arith.constant 0.000000e+00 : f32
        %broadcast_in_dim3A_211 = vector.broadcast %jit3A_209 : f32 to vector<256x8192xf32>
        %broadcast_in_dim3A_212 = vector.broadcast %jit3A_210 : f32 to vector<256x8192xf32>
        %select_n3A_213 = arith.select %le3A_208, %broadcast_in_dim3A_211, %broadcast_in_dim3A_212 : vector<256x8192xi1>, vector<256x8192xf32>
        %reduce_sum3A_214 = arith.constant dense<0.000000e+00> : vector<256xf32>
        %reduce_sum3A_215 = vector.multi_reduction <add>, %select_n3A_213, %reduce_sum3A_214 [1] : vector<256x8192xf32> to vector<256xf32>
        %broadcast_in_dim3A_216 = vector.shape_cast %reduce_sum3A_215 : vector<256xf32> to vector<256x1xf32>
        %ge3A = arith.constant 1.000000e+02 : f32
        %ge3A_217 = vector.broadcast %ge3A : f32 to vector<256x1xf32>
        %ge3A_218 = arith.cmpf oge, %broadcast_in_dim3A_216, %ge3A_217 : vector<256x1xf32>
        %select_n3A_219 = arith.select %ge3A_218, %scan3A_197, %mul3A_203 : vector<256x1xi1>, vector<256x1xf32>
        %select_n3A_220 = arith.select %ge3A_218, %mul3A_203, %scan3A_198 : vector<256x1xi1>, vector<256x1xf32>
        %select_n3A_221 = arith.select %ge3A_218, %scan3A_199, %broadcast_in_dim3A_216 : vector<256x1xi1>, vector<256x1xf32>
        scf.yield %select_n3A_219, %select_n3A_220, %select_n3A_221 : vector<256x1xf32>, vector<256x1xf32>, vector<256x1xf32>
      }
      %get3A_106 = arith.constant 0 : index
      %get3A_107 = arith.constant 0 : index
      %get3A_108 = vector.load %arg6[%get3A_106, %get3A_107] : memref<256x8192xf32, #tpu.memory_space<vmem>>, vector<256x8192xf32>
      %sqrt3A = math.sqrt %broadcast_in_dim3A : vector<256x1xf32>
      %le3A = vector.broadcast %scan3A_105#0 : vector<256x1xf32> to vector<256x8192xf32>
      %le3A_109 = arith.cmpf ole, %get3A_108, %le3A : vector<256x8192xf32>
      %sqrt3A_110 = math.sqrt %get3A_108 : vector<256x8192xf32>
      %sub3A_111 = vector.broadcast %sqrt3A : vector<256x1xf32> to vector<256x8192xf32>
      %sub3A_112 = arith.subf %sub3A_111, %sqrt3A_110 : vector<256x8192xf32>
      %exp3A = math.exp %sub3A_112 : vector<256x8192xf32>
      %jit3A_113 = arith.constant 0.000000e+00 : f32
      %broadcast_in_dim3A_114 = vector.broadcast %jit3A_113 : f32 to vector<256x8192xf32>
      %select_n3A_115 = arith.select %le3A_109, %exp3A, %broadcast_in_dim3A_114 : vector<256x8192xi1>, vector<256x8192xf32>
      %reduce_sum3A = arith.constant dense<0.000000e+00> : vector<256xf32>
      %reduce_sum3A_116 = vector.multi_reduction <add>, %select_n3A_115, %reduce_sum3A [1] : vector<256x8192xf32> to vector<256xf32>
      %broadcast_in_dim3A_117 = vector.shape_cast %reduce_sum3A_116 : vector<256xf32> to vector<256x1xf32>
      %iota3A = tpu.iota {dimensions = array<i32: 1>} : vector<256x8192xi32>
      %eq3A_118 = vector.broadcast %broadcast_in_dim3A : vector<256x1xf32> to vector<256x8192xf32>
      %eq3A_119 = arith.cmpf oeq, %get3A_108, %eq3A_118 : vector<256x8192xf32>
      %jit3A_120 = arith.constant 8192 : i32
      %broadcast_in_dim3A_121 = vector.broadcast %jit3A_120 : i32 to vector<256x8192xi32>
      %select_n3A_122 = arith.select %eq3A_119, %iota3A, %broadcast_in_dim3A_121 : vector<256x8192xi1>, vector<256x8192xi32>
      %reduce_min3A_123 = arith.constant dense<2147483647> : vector<256xi32>
      %reduce_min3A_124 = vector.multi_reduction <minsi>, %select_n3A_122, %reduce_min3A_123 [1] : vector<256x8192xi32> to vector<256xi32>
      %broadcast_in_dim3A_125 = vector.shape_cast %reduce_min3A_124 : vector<256xi32> to vector<256x1xi32>
      %sqrt3A_126 = math.sqrt %scan3A_105#1 : vector<256x1xf32>
      %sub3A_127 = arith.subf %sqrt3A, %sqrt3A_126 : vector<256x1xf32>
      %exp3A_128 = math.exp %sub3A_127 : vector<256x1xf32>
      %sub3A_129 = arith.constant 1.000000e+02 : f32
      %sub3A_130 = vector.broadcast %sub3A_129 : f32 to vector<256x1xf32>
      %sub3A_131 = arith.subf %sub3A_130, %scan3A_105#2 : vector<256x1xf32>
      %mul3A_132 = arith.mulf %sub3A_131, %exp3A_128 : vector<256x1xf32>
      %add3A_133 = arith.addf %broadcast_in_dim3A_117, %mul3A_132 : vector<256x1xf32>
      %get3A_134 = arith.constant 0 : index
      %get3A_135 = arith.constant 0 : index
      %get3A_136 = vector.load %arg8[%get3A_134, %get3A_135] : memref<256x1xf32, #tpu.memory_space<vmem>>, vector<256x1xf32>
      %get3A_137 = arith.constant 0 : index
      %get3A_138 = arith.constant 0 : index
      %get3A_139 = vector.load %arg1[%get3A_137, %get3A_138] : memref<256x1xi32, #tpu.memory_space<vmem>>, vector<256x1xi32>
      %sqrt3A_140 = math.sqrt %get3A_136 : vector<256x1xf32>
      %le3A_141 = arith.cmpf ole, %get3A_136, %scan3A_105#1 : vector<256x1xf32>
      %sub3A_142 = arith.subf %add3A_133, %exp3A_128 : vector<256x1xf32>
      %sub3A_143 = arith.subf %sqrt3A, %sqrt3A_140 : vector<256x1xf32>
      %exp3A_144 = math.exp %sub3A_143 : vector<256x1xf32>
      %add3A_145 = arith.addf %sub3A_142, %exp3A_144 : vector<256x1xf32>
      %select_n3A_146 = arith.select %le3A_141, %add3A_133, %add3A_145 : vector<256x1xi1>, vector<256x1xf32>
      %sub3A_147 = arith.subf %sqrt3A_140, %sqrt3A : vector<256x1xf32>
      %log3A = math.log %select_n3A_146 : vector<256x1xf32>
      %add3A_148 = arith.addf %sub3A_147, %log3A : vector<256x1xf32>
      %eq3A_149 = arith.cmpi eq, %broadcast_in_dim3A_125, %get3A_139 : vector<256x1xi32>
      %jit3A_150 = arith.constant 1.000000e+00 : f32
      %jit3A_151 = arith.constant 0.000000e+00 : f32
      %broadcast_in_dim3A_152 = vector.broadcast %jit3A_150 : f32 to vector<256x1xf32>
      %broadcast_in_dim3A_153 = vector.broadcast %jit3A_151 : f32 to vector<256x1xf32>
      %select_n3A_154 = arith.select %eq3A_149, %broadcast_in_dim3A_152, %broadcast_in_dim3A_153 : vector<256x1xi1>, vector<256x1xf32>
      %iota3A_155 = tpu.iota {dimensions = array<i32: 1>} : vector<1x128xi32>
      %eq3A_156 = arith.constant 0 : i32
      %eq3A_157 = vector.broadcast %eq3A_156 : i32 to vector<1x128xi32>
      %eq3A_158 = arith.cmpi eq, %iota3A_155, %eq3A_157 : vector<1x128xi32>
      %reduce_sum3A_159 = vector.shape_cast %add3A_148 : vector<256x1xf32> to vector<1x256x1xf32>
      %reduce_sum3A_160 = arith.constant dense<0.000000e+00> : vector<1xf32>
      %reduce_sum3A_161 = vector.multi_reduction <add>, %reduce_sum3A_159, %reduce_sum3A_160 [1, 2] : vector<1x256x1xf32> to vector<1xf32>
      %reduce_sum3A_162 = vector.shape_cast %reduce_sum3A_161 : vector<1xf32> to vector<1x1x1xf32>
      %reduce_sum3A_163 = vector.extract %reduce_sum3A_162[0, 0, 0] : f32 from vector<1x1x1xf32>
      %jit3A_164 = arith.constant 0.000000e+00 : f32
      %broadcast_in_dim3A_165 = vector.broadcast %reduce_sum3A_163 : f32 to vector<1x128xf32>
      %broadcast_in_dim3A_166 = vector.broadcast %jit3A_164 : f32 to vector<1x128xf32>
      %select_n3A_167 = arith.select %eq3A_158, %broadcast_in_dim3A_165, %broadcast_in_dim3A_166 : vector<1x128xi1>, vector<1x128xf32>
      %eq3A_168 = arith.constant 1 : i32
      %eq3A_169 = vector.broadcast %eq3A_168 : i32 to vector<1x128xi32>
      %eq3A_170 = arith.cmpi eq, %iota3A_155, %eq3A_169 : vector<1x128xi32>
      %reduce_sum3A_171 = vector.shape_cast %select_n3A_154 : vector<256x1xf32> to vector<1x256x1xf32>
      %reduce_sum3A_172 = arith.constant dense<0.000000e+00> : vector<1xf32>
      %reduce_sum3A_173 = vector.multi_reduction <add>, %reduce_sum3A_171, %reduce_sum3A_172 [1, 2] : vector<1x256x1xf32> to vector<1xf32>
      %reduce_sum3A_174 = vector.shape_cast %reduce_sum3A_173 : vector<1xf32> to vector<1x1x1xf32>
      %reduce_sum3A_175 = vector.extract %reduce_sum3A_174[0, 0, 0] : f32 from vector<1x1x1xf32>
      %jit3A_176 = arith.constant 0.000000e+00 : f32
      %broadcast_in_dim3A_177 = vector.broadcast %reduce_sum3A_175 : f32 to vector<1x128xf32>
      %broadcast_in_dim3A_178 = vector.broadcast %jit3A_176 : f32 to vector<1x128xf32>
      %select_n3A_179 = arith.select %eq3A_170, %broadcast_in_dim3A_177, %broadcast_in_dim3A_178 : vector<1x128xi1>, vector<1x128xf32>
      %add3A_180 = arith.addf %select_n3A_167, %select_n3A_179 : vector<1x128xf32>
      %eq3A_181 = arith.constant 2 : i32
      %eq3A_182 = vector.broadcast %eq3A_181 : i32 to vector<1x128xi32>
      %eq3A_183 = arith.cmpi eq, %iota3A_155, %eq3A_182 : vector<1x128xi32>
      %jit3A_184 = arith.constant 2.560000e+02 : f32
      %jit3A_185 = arith.constant 0.000000e+00 : f32
      %broadcast_in_dim3A_186 = vector.broadcast %jit3A_184 : f32 to vector<1x128xf32>
      %broadcast_in_dim3A_187 = vector.broadcast %jit3A_185 : f32 to vector<1x128xf32>
      %select_n3A_188 = arith.select %eq3A_183, %broadcast_in_dim3A_186, %broadcast_in_dim3A_187 : vector<1x128xi1>, vector<1x128xf32>
      %add3A_189 = arith.addf %add3A_180, %select_n3A_188 : vector<1x128xf32>
      %get3A_190 = arith.constant 0 : index
      %get3A_191 = arith.constant 0 : index
      %get3A_192 = vector.load %arg5[%get3A_190, %get3A_191] : memref<1x128xf32, #tpu.memory_space<vmem>>, vector<1x128xf32>
      %add3A_193 = arith.addf %get3A_192, %add3A_189 : vector<1x128xf32>
      %swap3A = arith.constant 0 : index
      %swap3A_194 = arith.constant 0 : index
      %swap3A_195 = vector.load %arg5[%swap3A, %swap3A_194] : memref<1x128xf32, #tpu.memory_space<vmem>>, vector<1x128xf32>
      tpu.vector_store %arg5[%swap3A, %swap3A_194], %add3A_193 {strides = array<i32>} : memref<1x128xf32, #tpu.memory_space<vmem>>, vector<1x128xf32>,
    } else {
    }
    %gt3A_66 = arith.constant 0 : i32
    %gt3A_67 = arith.cmpi sgt, %arg0, %gt3A_66 : i32
    %jit3A_68 = arith.constant 2 : i32
    %eq3A_69 = arith.constant 0 : i32
    %eq3A_70 = arith.cmpi eq, %jit3A_68, %eq3A_69 : i32
    %jit3A_71 = arith.constant 1 : i32
    %select_n3A_72 = arith.select %eq3A_70, %jit3A_71, %jit3A_68 : i32
    %rem3A_73 = arith.remsi %arg0, %select_n3A_72 : i32
    %ne3A_74 = arith.constant 0 : i32
    %ne3A_75 = arith.cmpi ne, %rem3A_73, %ne3A_74 : i32
    %lt3A_76 = arith.constant 0 : i32
    %lt3A_77 = arith.cmpi slt, %rem3A_73, %lt3A_76 : i32
    %lt3A_78 = arith.constant 0 : i32
    %lt3A_79 = arith.cmpi slt, %select_n3A_72, %lt3A_78 : i32
    %ne3A_80 = arith.xori %lt3A_77, %lt3A_79 : i1
    %and3A_81 = arith.andi %ne3A_80, %ne3A_75 : i1
    %add3A_82 = arith.addi %rem3A_73, %select_n3A_72 : i32
    %select_n3A_83 = arith.select %and3A_81, %add3A_82, %rem3A_73 : i32
    %eq3A_84 = arith.constant 0 : i32
    %eq3A_85 = arith.cmpi eq, %select_n3A_83, %eq3A_84 : i32
    %and3A_86 = arith.andi %gt3A_67, %eq3A_85 : i1
    %convert_element_type3A_87 = arith.extui %and3A_86 : i1 to i32
    %cond3A_88 = arith.constant 0 : i32
    %cond3A_89 = arith.cmpi ne, %convert_element_type3A_87, %cond3A_88 : i32
    scf.if %cond3A_89 {
      %get3A = arith.constant 0 : index
      %get3A_90 = arith.constant 0 : index
      %get3A_91 = vector.load %arg7[%get3A, %get3A_90] : memref<256x8192xf32, #tpu.memory_space<vmem>>, vector<256x8192xf32>
      %reduce_min3A = arith.constant dense<0x7F800000> : vector<256xf32>
      %reduce_min3A_92 = vector.multi_reduction <minimumf>, %get3A_91, %reduce_min3A [1] : vector<256x8192xf32> to vector<256xf32>
      %broadcast_in_dim3A = vector.shape_cast %reduce_min3A_92 : vector<256xf32> to vector<256x1xf32>
      %reduce_max3A = arith.constant dense<0xFF800000> : vector<256xf32>
      %reduce_max3A_93 = vector.multi_reduction <maximumf>, %get3A_91, %reduce_max3A [1] : vector<256x8192xf32> to vector<256xf32>
      %broadcast_in_dim3A_94 = vector.shape_cast %reduce_max3A_93 : vector<256xf32> to vector<256x1xf32>
      %mul3A = arith.constant 9.99999997E-7 : f32
      %mul3A_95 = vector.broadcast %mul3A : f32 to vector<256x1xf32>
      %mul3A_96 = arith.mulf %mul3A_95, %broadcast_in_dim3A : vector<256x1xf32>
      %add3A_97 = arith.constant 1.000000e-30 : f32
      %add3A_98 = vector.broadcast %add3A_97 : f32 to vector<256x1xf32>
      %add3A_99 = arith.addf %mul3A_96, %add3A_98 : vector<256x1xf32>
      %sub3A = arith.subf %broadcast_in_dim3A, %add3A_99 : vector<256x1xf32>
      %broadcast_in_dim3A_100 = arith.constant 0.000000e+00 : f32
      %broadcast_in_dim3A_101 = vector.broadcast %broadcast_in_dim3A_100 : f32 to vector<256x1xf32>
      %scan3A = arith.constant 0 : i32
      %scan3A_102 = arith.constant 8 : i32
      %scan3A_103 = arith.addi %scan3A, %scan3A_102 : i32
      %scan3A_104 = arith.constant 1 : i32
      %scan3A_105:3 = scf.for %scan3A_196 = %scan3A to %scan3A_103 step %scan3A_104 iter_args(%scan3A_197 = %sub3A, %scan3A_198 = %broadcast_in_dim3A_94, %scan3A_199 = %broadcast_in_dim3A_101) -> (vector<256x1xf32>, vector<256x1xf32>, vector<256x1xf32>)  : i32 {
        %add3A_200 = arith.addf %scan3A_197, %scan3A_198 : vector<256x1xf32>
        %mul3A_201 = arith.constant 5.000000e-01 : f32
        %mul3A_202 = vector.broadcast %mul3A_201 : f32 to vector<256x1xf32>
        %mul3A_203 = arith.mulf %mul3A_202, %add3A_200 : vector<256x1xf32>
        %get3A_204 = arith.constant 0 : index
        %get3A_205 = arith.constant 0 : index
        %get3A_206 = vector.load %arg7[%get3A_204, %get3A_205] : memref<256x8192xf32, #tpu.memory_space<vmem>>, vector<256x8192xf32>
        %le3A_207 = vector.broadcast %mul3A_203 : vector<256x1xf32> to vector<256x8192xf32>
        %le3A_208 = arith.cmpf ole, %get3A_206, %le3A_207 : vector<256x8192xf32>
        %jit3A_209 = arith.constant 1.000000e+00 : f32
        %jit3A_210 = arith.constant 0.000000e+00 : f32
        %broadcast_in_dim3A_211 = vector.broadcast %jit3A_209 : f32 to vector<256x8192xf32>
        %broadcast_in_dim3A_212 = vector.broadcast %jit3A_210 : f32 to vector<256x8192xf32>
        %select_n3A_213 = arith.select %le3A_208, %broadcast_in_dim3A_211, %broadcast_in_dim3A_212 : vector<256x8192xi1>, vector<256x8192xf32>
        %reduce_sum3A_214 = arith.constant dense<0.000000e+00> : vector<256xf32>
        %reduce_sum3A_215 = vector.multi_reduction <add>, %select_n3A_213, %reduce_sum3A_214 [1] : vector<256x8192xf32> to vector<256xf32>
        %broadcast_in_dim3A_216 = vector.shape_cast %reduce_sum3A_215 : vector<256xf32> to vector<256x1xf32>
        %ge3A = arith.constant 1.000000e+02 : f32
        %ge3A_217 = vector.broadcast %ge3A : f32 to vector<256x1xf32>
        %ge3A_218 = arith.cmpf oge, %broadcast_in_dim3A_216, %ge3A_217 : vector<256x1xf32>
        %select_n3A_219 = arith.select %ge3A_218, %scan3A_197, %mul3A_203 : vector<256x1xi1>, vector<256x1xf32>
        %select_n3A_220 = arith.select %ge3A_218, %mul3A_203, %scan3A_198 : vector<256x1xi1>, vector<256x1xf32>
        %select_n3A_221 = arith.select %ge3A_218, %scan3A_199, %broadcast_in_dim3A_216 : vector<256x1xi1>, vector<256x1xf32>
        scf.yield %select_n3A_219, %select_n3A_220, %select_n3A_221 : vector<256x1xf32>, vector<256x1xf32>, vector<256x1xf32>
      }
      %get3A_106 = arith.constant 0 : index
      %get3A_107 = arith.constant 0 : index
      %get3A_108 = vector.load %arg7[%get3A_106, %get3A_107] : memref<256x8192xf32, #tpu.memory_space<vmem>>, vector<256x8192xf32>
      %sqrt3A = math.sqrt %broadcast_in_dim3A : vector<256x1xf32>
      %le3A = vector.broadcast %scan3A_105#0 : vector<256x1xf32> to vector<256x8192xf32>
      %le3A_109 = arith.cmpf ole, %get3A_108, %le3A : vector<256x8192xf32>
      %sqrt3A_110 = math.sqrt %get3A_108 : vector<256x8192xf32>
      %sub3A_111 = vector.broadcast %sqrt3A : vector<256x1xf32> to vector<256x8192xf32>
      %sub3A_112 = arith.subf %sub3A_111, %sqrt3A_110 : vector<256x8192xf32>
      %exp3A = math.exp %sub3A_112 : vector<256x8192xf32>
      %jit3A_113 = arith.constant 0.000000e+00 : f32
      %broadcast_in_dim3A_114 = vector.broadcast %jit3A_113 : f32 to vector<256x8192xf32>
      %select_n3A_115 = arith.select %le3A_109, %exp3A, %broadcast_in_dim3A_114 : vector<256x8192xi1>, vector<256x8192xf32>
      %reduce_sum3A = arith.constant dense<0.000000e+00> : vector<256xf32>
      %reduce_sum3A_116 = vector.multi_reduction <add>, %select_n3A_115, %reduce_sum3A [1] : vector<256x8192xf32> to vector<256xf32>
      %broadcast_in_dim3A_117 = vector.shape_cast %reduce_sum3A_116 : vector<256xf32> to vector<256x1xf32>
      %iota3A = tpu.iota {dimensions = array<i32: 1>} : vector<256x8192xi32>
      %eq3A_118 = vector.broadcast %broadcast_in_dim3A : vector<256x1xf32> to vector<256x8192xf32>
      %eq3A_119 = arith.cmpf oeq, %get3A_108, %eq3A_118 : vector<256x8192xf32>
      %jit3A_120 = arith.constant 8192 : i32
      %broadcast_in_dim3A_121 = vector.broadcast %jit3A_120 : i32 to vector<256x8192xi32>
      %select_n3A_122 = arith.select %eq3A_119, %iota3A, %broadcast_in_dim3A_121 : vector<256x8192xi1>, vector<256x8192xi32>
      %reduce_min3A_123 = arith.constant dense<2147483647> : vector<256xi32>
      %reduce_min3A_124 = vector.multi_reduction <minsi>, %select_n3A_122, %reduce_min3A_123 [1] : vector<256x8192xi32> to vector<256xi32>
      %broadcast_in_dim3A_125 = vector.shape_cast %reduce_min3A_124 : vector<256xi32> to vector<256x1xi32>
      %sqrt3A_126 = math.sqrt %scan3A_105#1 : vector<256x1xf32>
      %sub3A_127 = arith.subf %sqrt3A, %sqrt3A_126 : vector<256x1xf32>
      %exp3A_128 = math.exp %sub3A_127 : vector<256x1xf32>
      %sub3A_129 = arith.constant 1.000000e+02 : f32
      %sub3A_130 = vector.broadcast %sub3A_129 : f32 to vector<256x1xf32>
      %sub3A_131 = arith.subf %sub3A_130, %scan3A_105#2 : vector<256x1xf32>
      %mul3A_132 = arith.mulf %sub3A_131, %exp3A_128 : vector<256x1xf32>
      %add3A_133 = arith.addf %broadcast_in_dim3A_117, %mul3A_132 : vector<256x1xf32>
      %get3A_134 = arith.constant 0 : index
      %get3A_135 = arith.constant 0 : index
      %get3A_136 = vector.load %arg9[%get3A_134, %get3A_135] : memref<256x1xf32, #tpu.memory_space<vmem>>, vector<256x1xf32>
      %get3A_137 = arith.constant 0 : index
      %get3A_138 = arith.constant 0 : index
      %get3A_139 = vector.load %arg1[%get3A_137, %get3A_138] : memref<256x1xi32, #tpu.memory_space<vmem>>, vector<256x1xi32>
      %sqrt3A_140 = math.sqrt %get3A_136 : vector<256x1xf32>
      %le3A_141 = arith.cmpf ole, %get3A_136, %scan3A_105#1 : vector<256x1xf32>
      %sub3A_142 = arith.subf %add3A_133, %exp3A_128 : vector<256x1xf32>
      %sub3A_143 = arith.subf %sqrt3A, %sqrt3A_140 : vector<256x1xf32>
      %exp3A_144 = math.exp %sub3A_143 : vector<256x1xf32>
      %add3A_145 = arith.addf %sub3A_142, %exp3A_144 : vector<256x1xf32>
      %select_n3A_146 = arith.select %le3A_141, %add3A_133, %add3A_145 : vector<256x1xi1>, vector<256x1xf32>
      %sub3A_147 = arith.subf %sqrt3A_140, %sqrt3A : vector<256x1xf32>
      %log3A = math.log %select_n3A_146 : vector<256x1xf32>
      %add3A_148 = arith.addf %sub3A_147, %log3A : vector<256x1xf32>
      %eq3A_149 = arith.cmpi eq, %broadcast_in_dim3A_125, %get3A_139 : vector<256x1xi32>
      %jit3A_150 = arith.constant 1.000000e+00 : f32
      %jit3A_151 = arith.constant 0.000000e+00 : f32
      %broadcast_in_dim3A_152 = vector.broadcast %jit3A_150 : f32 to vector<256x1xf32>
      %broadcast_in_dim3A_153 = vector.broadcast %jit3A_151 : f32 to vector<256x1xf32>
      %select_n3A_154 = arith.select %eq3A_149, %broadcast_in_dim3A_152, %broadcast_in_dim3A_153 : vector<256x1xi1>, vector<256x1xf32>
      %iota3A_155 = tpu.iota {dimensions = array<i32: 1>} : vector<1x128xi32>
      %eq3A_156 = arith.constant 0 : i32
      %eq3A_157 = vector.broadcast %eq3A_156 : i32 to vector<1x128xi32>
      %eq3A_158 = arith.cmpi eq, %iota3A_155, %eq3A_157 : vector<1x128xi32>
      %reduce_sum3A_159 = vector.shape_cast %add3A_148 : vector<256x1xf32> to vector<1x256x1xf32>
      %reduce_sum3A_160 = arith.constant dense<0.000000e+00> : vector<1xf32>
      %reduce_sum3A_161 = vector.multi_reduction <add>, %reduce_sum3A_159, %reduce_sum3A_160 [1, 2] : vector<1x256x1xf32> to vector<1xf32>
      %reduce_sum3A_162 = vector.shape_cast %reduce_sum3A_161 : vector<1xf32> to vector<1x1x1xf32>
      %reduce_sum3A_163 = vector.extract %reduce_sum3A_162[0, 0, 0] : f32 from vector<1x1x1xf32>
      %jit3A_164 = arith.constant 0.000000e+00 : f32
      %broadcast_in_dim3A_165 = vector.broadcast %reduce_sum3A_163 : f32 to vector<1x128xf32>
      %broadcast_in_dim3A_166 = vector.broadcast %jit3A_164 : f32 to vector<1x128xf32>
      %select_n3A_167 = arith.select %eq3A_158, %broadcast_in_dim3A_165, %broadcast_in_dim3A_166 : vector<1x128xi1>, vector<1x128xf32>
      %eq3A_168 = arith.constant 1 : i32
      %eq3A_169 = vector.broadcast %eq3A_168 : i32 to vector<1x128xi32>
      %eq3A_170 = arith.cmpi eq, %iota3A_155, %eq3A_169 : vector<1x128xi32>
      %reduce_sum3A_171 = vector.shape_cast %select_n3A_154 : vector<256x1xf32> to vector<1x256x1xf32>
      %reduce_sum3A_172 = arith.constant dense<0.000000e+00> : vector<1xf32>
      %reduce_sum3A_173 = vector.multi_reduction <add>, %reduce_sum3A_171, %reduce_sum3A_172 [1, 2] : vector<1x256x1xf32> to vector<1xf32>
      %reduce_sum3A_174 = vector.shape_cast %reduce_sum3A_173 : vector<1xf32> to vector<1x1x1xf32>
      %reduce_sum3A_175 = vector.extract %reduce_sum3A_174[0, 0, 0] : f32 from vector<1x1x1xf32>
      %jit3A_176 = arith.constant 0.000000e+00 : f32
      %broadcast_in_dim3A_177 = vector.broadcast %reduce_sum3A_175 : f32 to vector<1x128xf32>
      %broadcast_in_dim3A_178 = vector.broadcast %jit3A_176 : f32 to vector<1x128xf32>
      %select_n3A_179 = arith.select %eq3A_170, %broadcast_in_dim3A_177, %broadcast_in_dim3A_178 : vector<1x128xi1>, vector<1x128xf32>
      %add3A_180 = arith.addf %select_n3A_167, %select_n3A_179 : vector<1x128xf32>
      %eq3A_181 = arith.constant 2 : i32
      %eq3A_182 = vector.broadcast %eq3A_181 : i32 to vector<1x128xi32>
      %eq3A_183 = arith.cmpi eq, %iota3A_155, %eq3A_182 : vector<1x128xi32>
      %jit3A_184 = arith.constant 2.560000e+02 : f32
      %jit3A_185 = arith.constant 0.000000e+00 : f32
      %broadcast_in_dim3A_186 = vector.broadcast %jit3A_184 : f32 to vector<1x128xf32>
      %broadcast_in_dim3A_187 = vector.broadcast %jit3A_185 : f32 to vector<1x128xf32>
      %select_n3A_188 = arith.select %eq3A_183, %broadcast_in_dim3A_186, %broadcast_in_dim3A_187 : vector<1x128xi1>, vector<1x128xf32>
      %add3A_189 = arith.addf %add3A_180, %select_n3A_188 : vector<1x128xf32>
      %get3A_190 = arith.constant 0 : index
      %get3A_191 = arith.constant 0 : index
      %get3A_192 = vector.load %arg5[%get3A_190, %get3A_191] : memref<1x128xf32, #tpu.memory_space<vmem>>, vector<1x128xf32>
      %add3A_193 = arith.addf %get3A_192, %add3A_189 : vector<1x128xf32>
      %swap3A = arith.constant 0 : index
      %swap3A_194 = arith.constant 0 : index
      %swap3A_195 = vector.load %arg5[%swap3A, %swap3A_194] : memref<1x128xf32, #tpu.memory_space<vmem>>, vector<1x128xf32>
      tpu.vector_store %arg5[%swap3A, %swap3A_194], %add3A_193 {strides = array<i32>} : memref<1x128xf32, #tpu.memory_space<vmem>>, vector<1x128xf32>,
    } else {
    }
    return
  }
  func.func @transform_0(%arg0: i32) -> (i32, i32) {
    %sub3A = arith.constant 1 : i32
    %sub3A_0 = arith.subi %arg0, %sub3A : i32
    %max3A = arith.constant 0 : i32
    %max3A_1 = arith.maxsi %sub3A_0, %max3A : i32
    %c0_i32 = arith.constant 0 : i32
    %c0_i32_2 = arith.constant 0 : i32
    return %max3A_1, %c0_i32 : i32, i32
  }
  func.func @transform_1(%arg0: i32) -> (i32, i32) {
    %min3A = arith.constant 31 : i32
    %min3A_0 = arith.minsi %arg0, %min3A : i32
    %c0_i32 = arith.constant 0 : i32
    %c0_i32_1 = arith.constant 0 : i32
    return %min3A_0, %c0_i32 : i32, i32
  }
  func.func @transform_2(%arg0: i32) -> (i32, i32) {
    %c0_i32 = arith.constant 0 : i32
    %c0_i32_0 = arith.constant 0 : i32
    %c0_i32_1 = arith.constant 0 : i32
    return %c0_i32, %c0_i32_0 : i32, i32
  }
  func.func @transform_3(%arg0: i32) -> (i32, i32) {
    %min3A = arith.constant 31 : i32
    %min3A_0 = arith.minsi %arg0, %min3A : i32
    %c0_i32 = arith.constant 0 : i32
    %c0_i32_1 = arith.constant 0 : i32
    return %min3A_0, %c0_i32 : i32, i32
  }
  func.func @transform_4(%arg0: i32) -> (i32, i32) {
    %c0_i32 = arith.constant 0 : i32
    %c0_i32_0 = arith.constant 0 : i32
    %c0_i32_1 = arith.constant 0 : i32
    return %c0_i32, %c0_i32_0 : i32, i32
  }
}

</mosaic_0001>

<sc_bundles>
// kernel: kernel.4.cloned.1.call-start
scs
__scs_entry_jumppad:
0x0: {  	(pc) =	sbr.rel $0x88, $3  }
0x1: {  	(tag) =	ssettag $0x0;
	lr =	simm.s32 $0x1  }
0x2: {  	[smem:$0x3F9E] =	sst lr;
	_ =	strace $0xD0000000  }
0x3: {  	_ = 	snop  }
0x4: {  	_ = 	snop  }
0x5: {  	_ = 	snop  }
0x6: {  	_ = 	snop  }
0x7: {  	_ = 	snop  }
__scs_overlays_trampoline_lowered:
0x8: {  	[smem:$0x3FAD] =	sst s0  }
0x9: {  	[smem:$0x3FAE] =	sst s1  }
0xa: {  	[smem:$0x3FAF] =	sst s2  }
0xb: {  	[smem:$0x3FB0] =	sst s3  }
0xc: {  	[smem:$0x3FB1] =	sst s4  }
0xd: {  	[smem:$0x3FB2] =	sst s5  }
0xe: {  	[smem:$0x3FB3] =	sst s6  }
0xf: {  	[smem:$0x3FB4] =	sst s7  }
0x10: {  	[smem:$0x3FB5] =	sst s8  }
0x11: {  	[smem:$0x3FB6] =	sst s9;
	s0 =	simm.s32 @!p0 $0x0  }
0x12: {  	s1 =	sld [smem:$0x3F9C];
	s0 =	simm.s32 @p0 $0x1  }
0x13: {  	[smem:$0x3FB7] =	sst s0;
	s0 =	simm.s32 @!p1 $0x0  }
0x14: {  	s2 =	sld [smem:$0x3F9B];
	s0 =	simm.s32 @p1 $0x1  }
0x15: {  	[smem:$0x3FB8] =	sst s0;
	s0 =	simm.s32 @!p2 $0x0  }
0x16: {  	s3 =	sld [smem:$0x3FDB];
	s0 =	simm.s32 @p2 $0x1  }
0x17: {  	s4 =	simm.s32 $0x1BF5;
	[smem:$0x3FBA] =	sst s0  }
0x18: {  	s0 =	sld [smem:$0x3F9D];
	_ =	swait.ge [sflag:s4], $0x0  }
0x19: {  	s7 =	sld [smem:$0x3F9E]  }
0x1a: {  	s8 =	sadd.s32 $0xFFFFE003, lr  }
0x1b: {  	s9 =	sadd.s32 $0xFFFFFEF7, lr;
	s5 =	simm.s32 $0xFFFFFFFF;
	p2 =	slt.u32 s8, $0xFFFFF086  }
0x1c: {  	p1 =	slt.u32 s9, $0xF7A;
	s5 =	simm.s32 @!p2 $0x0  }
0x1d: {  	s5 =	simm.s32 @p1 $0x1;
	p0 =	seq.s32 s7, s2  }
0x1e: {  	s7 =	smul.u32 @!p0 $0xF7A, s2;
	p2 =	seq.s32 @!p0 s5, $0x0  }
0x1f: {  	s9 =	smul.u32 $0xF7A, s1;
	s8 =	simm.s32 @!p0 $0x1BF5;
	p2 =	por !p2, p0  }
0x20: {  	[sflag:s8] =	ssyncset.s32 @!p0 $0xFFFFF086;
	s6 =	sadd.s32 @!p0 s3, s7;
	s7 =	simm.s32 @!p0 $0x108  }
0x21: {  	s3 =	sadd.s32 s3, s9;
	s6 =	sadd.s32 @!p0 $0x88, s6;
	s7 =	simm.s32 @p2 $0x1082  }
0x22: {  	[simem:s7], [sflag:s8] =	dma.local @!p0 [hbm:s6], $0xF7A  }
0x23: {  	s9 =	sor.u32 $0xD0000000, s2;
	s6 =	simm.s32 $0x108;
	_ =	swait.ge @!p0 [sflag:s8], $0x0  }
0x24: {  	s3 =	sadd.s32 $0x88, s3;
	s6 =	simm.s32 @!p1 $0x1082;
	[sflag:s4] =	ssyncset.s32 $0xFFFFF086  }
0x25: {  	[simem:s6], [sflag:s4] =	dma.local [hbm:s3], $0xF7A  }
0x26: {  	[smem:$0x3F9E] =	sst s1;
	(tag) =	ssettag s2;
	_ =	strace s9  }
0x27: {  	s1 =	sld [smem:$0x3FAE]  }
0x28: {  	s2 =	sld [smem:$0x3FAF]  }
0x29: {  	s4 =	sld [smem:$0x3FB1]  }
0x2a: {  	p0 =	seq.s32 s5, $0x0;
	s5 =	sld [smem:$0x3FB2]  }
0x2b: {  	s6 =	sld [smem:$0x3FB3]  }
0x2c: {  	s7 =	sld [smem:$0x3FB4]  }
0x2d: {  	s3 =	simm.s32 $0x108;
	s8 =	sld [smem:$0x3FB5]  }
0x2e: {  	s3 =	simm.s32 @!p0 $0x1082;
	s9 =	sld [smem:$0x3FB6]  }
0x2f: {  	lr =	sadd.s32 s0, s3;
	s0 =	sld [smem:$0x3FAD]  }
0x30: {  	s3 =	sld [smem:$0x3FB0]  }
0x31: {  	[smem:$0x3FB9] =	sst s10  }
0x32: {  	s10 =	sld [smem:$0x3FB7];
	_ =	sdelay $0x3  }
0x33: {  	p0 =	seq.s32 s10, $0x1;
	s10 =	sld [smem:$0x3FB9];
	_ =	sdelay $0x3  }
0x34: {  	[smem:$0x3FB9] =	sst s10  }
0x35: {  	s10 =	sld [smem:$0x3FB8];
	_ =	sdelay $0x3  }
0x36: {  	p1 =	seq.s32 s10, $0x1;
	s10 =	sld [smem:$0x3FB9];
	_ =	sdelay $0x3  }
0x37: {  	[smem:$0x3FB9] =	sst s10  }
0x38: {  	s10 =	sld [smem:$0x3FBA]  }
0x39: {  	_ = 	snop;
	(pc) =	sbr.ind lr, $3  }
0x3a: {  	_ = 	snop  }
0x3b: {  	_ = 	snop  }
0x3c: {  	p2 =	seq.s32 s10, $0x1;
	s10 =	sld [smem:$0x3FB9]  }
0x3d: {  	_ =	shalt  }
0x3e: {  	_ =	shalt  }
0x3f: {  	_ =	shalt  }
0x40: {  	_ =	shalt  }
0x41: {  	_ =	shalt  }
0x42: {  	_ =	shalt  }
0x43: {  	_ =	shalt  }
0x44: {  	_ =	shalt  }
0x45: {  	_ =	shalt  }
0x46: {  	_ =	shalt  }
0x47: {  	_ =	shalt  }
0x48: {  	_ =	shalt  }
0x49: {  	_ =	shalt  }
0x4a: {  	_ =	shalt  }
0x4b: {  	_ =	shalt  }
0x4c: {  	_ =	shalt  }
0x4d: {  	_ =	shalt  }
0x4e: {  	_ =	shalt  }
0x4f: {  	_ =	shalt  }
0x50: {  	_ =	shalt  }
0x51: {  	_ =	shalt  }
0x52: {  	_ =	shalt  }
0x53: {  	_ =	shalt  }
0x54: {  	_ =	shalt  }
0x55: {  	_ =	shalt  }
0x56: {  	_ =	shalt  }
0x57: {  	_ =	shalt  }
0x58: {  	_ =	shalt  }
0x59: {  	_ =	shalt  }
0x5a: {  	_ =	shalt  }
0x5b: {  	_ =	shalt  }
0x5c: {  	_ =	shalt  }
0x5d: {  	_ =	shalt  }
0x5e: {  	_ =	shalt  }
0x5f: {  	_ =	shalt  }
0x60: {  	_ =	shalt  }
0x61: {  	_ =	shalt  }
0x62: {  	_ =	shalt  }
0x63: {  	_ =	shalt  }
0x64: {  	_ =	shalt  }
0x65: {  	_ =	shalt  }
0x66: {  	_ =	shalt  }
0x67: {  	_ =	shalt  }
0x68: {  	_ =	shalt  }
0x69: {  	_ =	shalt  }
0x6a: {  	_ =	shalt  }
0x6b: {  	_ =	shalt  }
0x6c: {  	_ =	shalt  }
0x6d: {  	_ =	shalt  }
0x6e: {  	_ =	shalt  }
0x6f: {  	_ =	shalt  }
0x70: {  	_ =	shalt  }
0x71: {  	_ =	shalt  }
0x72: {  	_ =	shalt  }
0x73: {  	_ =	shalt  }
0x74: {  	_ =	shalt  }
0x75: {  	_ =	shalt  }
0x76: {  	_ =	shalt  }
0x77: {  	_ =	shalt  }
0x78: {  	_ =	shalt  }
0x79: {  	_ =	shalt  }
0x7a: {  	_ =	shalt  }
0x7b: {  	_ =	shalt  }
0x7c: {  	_ =	shalt  }
0x7d: {  	_ =	shalt  }
0x7e: {  	_ =	shalt  }
0x7f: {  	_ =	shalt  }
0x80: {  	_ =	shalt  }
0x81: {  	_ =	shalt  }
0x82: {  	_ =	shalt  }
0x83: {  	_ =	shalt  }
0x84: {  	_ =	shalt  }
0x85: {  	_ =	shalt  }
0x86: {  	_ =	shalt  }
0x87: {  	_ =	shalt  }
.Lfunc_end0:
.L_simem_size_0:
called_computation_lowered:
.L_overlay_start_0:
0x88: {  	s2 =	sld [smem:$0x3FD9]  }
0x89: {  	s3 =	sld [smem:$0x3FFE];
	_ =	sdelay $0x1  }
0x8a: {  	s1 =	srdreg.scid  }
0x8b: {  	s0 =	sand.u32 $0x1, s1  }
0x8c: {  	s17 =	sshll.u32 s0, $0xA;
	s2 =	sadd.s32 s3, s2  }
0x8d: {  	s2 =	sadd.s32 s2, s17  }
0x8e: {  	[smem:$0x3FC5] =	sst s2  }
0x8f: {  	_ = 	snop  }
0x90: {  	s2 =	sld [smem:$0x3FC7];
	(tm) =	ssettm $0x1  }
0x91: {  	s18 =	sld [smem:$0x3FFB];
	_ =	sdelay $0x3  }
0x92: {  	_ =	strace s18  }
0x93: {  	s3 =	sld [smem:$0x3FFC];
	_ =	sdelay $0x3  }
0x94: {  	_ =	strace s3  }
0x95: {  	s3 =	sld [smem:$0x3FFD];
	_ =	sdelay $0x3  }
0x96: {  	_ =	strace s3  }
0x97: {  	_ =	strace $0x8FFFFFFF  }
0x98: {  	s19 =	sld [smem:$0x3FDB];
	_ =	sdelay $0x1  }
0x99: {  	s4 =	simm.s32 $_scs_section_size  }
0x9a: {  	s5 =	simm.s32 $_size__tile_overlayer_lowered;
	s6 =	simm.s32 $_tile_overlayer_lowered  }
0x9b: {  	s22 =	simm.s32 $0x1BFF;
	s21 =	sshll.u32 s6, $0x1;
	s3 =	sadd.s32 s4, s19  }
0x9c: {  	s7 =	simm.s32 $0x0;
	s20 =	sshll.u32 s5, $0x1;
	s5 =	sadd.s32 s21, s3  }
0x9d: {  	[timem:s7], [sflag:s22] =	dma.local [hbm:s5], s20  }
0x9e: {  	_ =	swait.ge [sflag:s22], s20  }
0x9f: {  	s4 =	ssub.s32 $0x0, s20;
	[sflag:s22] =	ssyncset.done $0x0  }
0xa0: {  	[sflag:s22] =	ssyncadd.s32 s4;
	_ =	sdelay $0x1  }
0xa1: {  	s23 =	simm.s32 $0x1B8B  }
0xa2: {  	_ =	swait.ge [sflag:s23], $0x1  }
0xa3: {  	[sflag:s23] =	ssyncset.done $0x0  }
0xa4: {  	s25 =	simm.s32 $0x1B8E;
	s24 =	sld [smem:$0x3FFE];
	[sflag:s23] =	ssyncadd.s32 $0xFFFFFFFF  }
0xa5: {  	s26 =	simm.s32 $execute0_lowered;
	[smem:$0x3FD2] =	sst s25  }
0xa6: {  	s5 =	sshll.u32 s26, $0x1;
	_ =	strace $0x80000046;
	[dreg:$0x1] =	wrdreg $0xFFFFFFFF  }
0xa7: {  	s28 =	simm.s32 $_size_execute0_lowered;
	s3 =	sadd.s32 s3, s5;
	[dreg:$0x0] =	wrdreg $0x0  }
0xa8: {  	s5 =	sshll.u32 s28, $0x1;
	[dreg:$0x2] =	wrdreg s3  }
0xa9: {  	[dreg:$0x3] =	wrdreg s5  }
0xaa: {  	[dreg:$0x4] =	wrdreg $0xC0  }
0xab: {  	_ =	task [dreg:s7], $0x5FFFF  }
0xac: {  	[dreg:$0x1] =	wrdreg $0xFFFFFFFF  }
0xad: {  	[dreg:$0x0] =	wrdreg $0x60  }
0xae: {  	[dreg:$0x2] =	wrdreg s2  }
0xaf: {  	[dreg:$0x3] =	wrdreg s24  }
0xb0: {  	[dreg:$0x4] =	wrdreg $0x9  }
0xb1: {  	_ =	task.clear_ibuf [dreg:s7], $0x5FFFF;
	_ =	strace $0x90000046  }
0xb2: {  	s29 =	simm.s32 $0x9;
	_ =	strace $0x80000048  }
0xb3: {  	_ =	swait.ge [sflag:s29], $0x1  }
0xb4: {  	[sflag:s29] =	ssyncadd.s32 $0xFFFFFFFF  }
0xb5: {  	_ =	strace $0x90000048  }
0xb6: {  	_ =	sfence  }
0xb7: {  	s30 =	sld [smem:$0x0];
	_ =	sdelay $0x2  }
0xb8: {  	s31 =	sshll.u32 s1, $0xD;
	s1 =	sshrl.u32 s1, $0x2  }
0xb9: {  	s3 =	sand.u32 $0x4000, s31;
	s1 =	sadd.s32 s1, s30  }
0xba: {  	s0 =	sor.u32 s3, s0;
	s1 =	sshll.u32 s1, $0x11  }
0xbb: {  	s0 =	sor.u32 s1, s0  }
0xbc: {  	s0 =	sadd.s32 $0x8F2B, s0  }
0xbd: {  	[sflag:s0] =	ssyncadd.remote.s32 $0x1  }
0xbe: {  	_ =	sfence.sel $0xFFFF  }
0xbf: {  	[dreg:$0x0] =	wrdreg $0xFFFFFFFF;
	(pc) =	sbr.abs _section_cstart, $3  }
0xc0: {  	[dreg:$0x1] =	wrdreg $0xFFFFFFFF  }
0xc1: {  	_ =	task.clear_ibuf [dreg:s7], $0x2FFFF;
	_ =	strace $0x9FFFFFFF  }
0xc2: {  	(tm) =	ssettm $0x7FFFFFFF  }
0xc3: {  	_ =	shalt  }
tec
execute0_lowered:
.L_overlay_start_1:
0x0: {  	(tag) =	ssettag $0x1  }
0x1: {  	s1 =	srdreg.scid  }
0x2: {  	s0 =	stileid.u32;
	s2 =	rddreg [dreg:$0x0]  }
0x3: {  	s5 =	rddreg [dreg:$0x1];
	s19 =	simm.s32 $0x900;
	s20 =	simm.s32 $0x1100  }
0x4: {  	s21 =	simm.s32 $0x1900;
	s23 =	simm.s32 $0x2100;
	s24 =	simm.s32 $0x2900  }
0x5: {  	s25 =	simm.s32 $0x3100;
	s26 =	simm.s32 $0x3900;
	s8 =	simm.s32 $0x4900  }
0x6: {  	s9 =	simm.s32 $0x5100;
	s10 =	simm.s32 $0x5900;
	s11 =	simm.s32 $0x6100  }
0x7: {  	s12 =	simm.s32 $0x6900;
	s13 =	simm.s32 $0x7100;
	s1 =	sand.u32 $0x1, s1  }
0x8: {  	s14 =	simm.s32 $0x7900;
	s3 =	sshll.u32 s0, $0x9;
	s4 =	sshll.u32 s1, $0x8  }
0x9: {  	s15 =	simm.s32 $0x8100;
	s4 =	sor.u32 s4, s3;
	s3 =	simm.s32 $0x0  }
0xa: {  	s16 =	simm.s32 $0x8900;
	s17 =	simm.s32 $0x9100;
	[smem:$0x7FF] =	sst s3  }
0xb: {  	s28 =	simm.s32 $0xE100;
	_ =	strace $0x80000047;
	[dreg:$0x5] =	wrdreg s19  }
0xc: {  	s29 =	simm.s32 $0xE900;
	s30 =	simm.s32 $0xF100;
	[dreg:$0x6] =	wrdreg s20  }
0xd: {  	s31 =	simm.s32 $0xF900;
	s1 =	ssub.s32 $0x2, s1;
	[dreg:$0x7] =	wrdreg s21  }
0xe: {  	s22 =	sshrl.u32 s1, $0x1;
	s6 =	sshrl.u32 s4, $0x3;
	[dreg:$0x8] =	wrdreg s23  }
0xf: {  	s4 =	sshll.u32 s4, $0x5;
	s1 =	ssub.s32 s1, s22;
	[dreg:$0x9] =	wrdreg s24  }
0x10: {  	s22 =	simm.s32 $0xB900;
	s6 =	sadd.s32 s6, s5;
	[dreg:$0xa] =	wrdreg s25  }
0x11: {  	s4 =	sadd.s32 s4, s5;
	s5 =	simm.s32 $0x2;
	[dreg:$0xb] =	wrdreg s26  }
0x12: {  	s19 =	simm.s32 $0xA100;
	s20 =	simm.s32 $0xA900;
	s21 =	simm.s32 $0xB100  }
0x13: {  	s23 =	simm.s32 $0xC100;
	s24 =	simm.s32 $0xC900;
	s18 =	sadd.s32 $0xA00, s6  }
0x14: {  	v2 =	vlaneseq.u32;
	s25 =	simm.s32 $0xD100;
	s4 =	sadd.s32 $0xE00, s4;
	[dreg:$0x3] =	wrdreg s18  }
0x15: {  	vm0 =	vmmov $0xffff;
	v1 =	vshrl.u32 v2, $0x3;
	s26 =	simm.s32 $0xD900;
	s6 =	simm.s32 $0x100;
	[dreg:$0x4] =	wrdreg s4  }
0x16: {  	v0 =	vand.u32 $0x7, v2;
	v2 =	vor.u32 $0x8, v2;
	v1 =	vmul.u32 $0x8, v1;
	s4 =	smax.u32 s1, $0x1;
	s18 =	simm.s32 $0x9900;
	s1 =	simm.s32 $0x1  }
.LBB2_1:
0x17: {  	s0 =	rddreg [dreg:$0x3]  }
0x18: {  	[tilespmem:s3], [sflag:$0x2] =	stream.linear.gather [hbm4b:s0+s3], $0x100, $0x38;
	[tilespmem:$0x10100] =	vst v63  }
0x19: {  	_ =	swait.ge [sflag:s5], $0x100  }
0x1a: {  	[sflag:s5] =	ssyncset.done $0x0  }
0x1b: {  	[sflag:s5] =	ssyncadd.s32 $0xFFFFFF00  }
0x1c: {  	v3 =	vld [tilespmem:$0x0];
	_ =	sdelay $0x4  }
0x1d: {  	v4 =	vshll.u32 v3, $0x1  }
0x1e: {  	v3 =	vand.u32 $0x7, v3;
	v4 =	vand.u32 $0xFFFFFFF0, v4  }
0x1f: {  	v3 =	vor.u32 v3, v4  }
0x20: {  	v4 =	vperm.xlane v3, v0;
	_ =	sdelay $0x1  }
0x21: {  	v3 =	vperm.xlane v3, v2;
	v4 =	vadd.s32 v1, v4;
	_ =	sdelay $0x1  }
0x22: {  	v3 =	vadd.s32 v1, v3;
	_ =	sdelay $0x2  }
0x23: {  	[tilespmem:s6], [sflag:$0x1] =	stream.indirect_vreg.gather [hbm4b:s2+s3], $0x80, v4, vm0, $0xb8;
	[tilespmem:$0x10100] =	vst v63  }
0x24: {  	s7 =	rddreg [dreg:$0x5]  }
0x25: {  	[tilespmem:s7], [sflag:$0x1] =	stream.indirect_vreg.gather [hbm4b:s2+s3], $0x80, v3, vm0, $0xb8;
	[tilespmem:$0x10100] =	vst v63  }
0x26: {  	v3 =	vld [tilespmem:$0x10];
	_ =	sdelay $0x4  }
0x27: {  	v49 =	vshll.u32 v3, $0x1  }
0x28: {  	v3 =	vand.u32 $0x7, v3;
	v4 =	vand.u32 $0xFFFFFFF0, v49  }
0x29: {  	v3 =	vor.u32 v3, v4  }
0x2a: {  	v4 =	vperm.xlane v3, v0;
	_ =	sdelay $0x1  }
0x2b: {  	v3 =	vperm.xlane v3, v2;
	v4 =	vadd.s32 v1, v4;
	_ =	sdelay $0x1  }
0x2c: {  	v3 =	vadd.s32 v1, v3;
	_ =	sdelay $0x1  }
0x2d: {  	s0 =	rddreg [dreg:$0x6]  }
0x2e: {  	[tilespmem:s0], [sflag:$0x1] =	stream.indirect_vreg.gather [hbm4b:s2+s3], $0x80, v4, vm0, $0xb8;
	[tilespmem:$0x10100] =	vst v63  }
0x2f: {  	s7 =	rddreg [dreg:$0x7]  }
0x30: {  	[tilespmem:s7], [sflag:$0x1] =	stream.indirect_vreg.gather [hbm4b:s2+s3], $0x80, v3, vm0, $0xb8;
	[tilespmem:$0x10100] =	vst v63  }
0x31: {  	v3 =	vld [tilespmem:$0x20];
	_ =	sdelay $0x4  }
0x32: {  	v50 =	vshll.u32 v3, $0x1  }
0x33: {  	v3 =	vand.u32 $0x7, v3;
	v4 =	vand.u32 $0xFFFFFFF0, v50  }
0x34: {  	v3 =	vor.u32 v3, v4  }
0x35: {  	v4 =	vperm.xlane v3, v0;
	_ =	sdelay $0x1  }
0x36: {  	v3 =	vperm.xlane v3, v2;
	v4 =	vadd.s32 v1, v4;
	_ =	sdelay $0x1  }
0x37: {  	v3 =	vadd.s32 v1, v3;
	_ =	sdelay $0x1  }
0x38: {  	s0 =	rddreg [dreg:$0x8]  }
0x39: {  	[tilespmem:s0], [sflag:$0x1] =	stream.indirect_vreg.gather [hbm4b:s2+s3], $0x80, v4, vm0, $0xb8;
	[tilespmem:$0x10100] =	vst v63  }
0x3a: {  	s7 =	rddreg [dreg:$0x9]  }
0x3b: {  	[tilespmem:s7], [sflag:$0x1] =	stream.indirect_vreg.gather [hbm4b:s2+s3], $0x80, v3, vm0, $0xb8;
	[tilespmem:$0x10100] =	vst v63  }
0x3c: {  	v3 =	vld [tilespmem:$0x30];
	_ =	sdelay $0x4  }
0x3d: {  	v51 =	vshll.u32 v3, $0x1  }
0x3e: {  	v3 =	vand.u32 $0x7, v3;
	v4 =	vand.u32 $0xFFFFFFF0, v51  }
0x3f: {  	v3 =	vor.u32 v3, v4  }
0x40: {  	v4 =	vperm.xlane v3, v0;
	_ =	sdelay $0x1  }
0x41: {  	v3 =	vperm.xlane v3, v2;
	v4 =	vadd.s32 v1, v4;
	_ =	sdelay $0x1  }
0x42: {  	v3 =	vadd.s32 v1, v3;
	_ =	sdelay $0x1  }
0x43: {  	s0 =	rddreg [dreg:$0xa]  }
0x44: {  	[tilespmem:s0], [sflag:$0x1] =	stream.indirect_vreg.gather [hbm4b:s2+s3], $0x80, v4, vm0, $0xb8;
	[tilespmem:$0x10100] =	vst v63  }
0x45: {  	s7 =	rddreg [dreg:$0xb]  }
0x46: {  	[tilespmem:s7], [sflag:$0x1] =	stream.indirect_vreg.gather [hbm4b:s2+s3], $0x80, v3, vm0, $0xb8;
	[tilespmem:$0x10100] =	vst v63  }
0x47: {  	v3 =	vld [tilespmem:$0x40];
	_ =	sdelay $0x4  }
0x48: {  	v52 =	vshll.u32 v3, $0x1  }
0x49: {  	v3 =	vand.u32 $0x7, v3;
	v4 =	vand.u32 $0xFFFFFFF0, v52  }
0x4a: {  	v3 =	vor.u32 v3, v4  }
0x4b: {  	v4 =	vperm.xlane v3, v0;
	_ =	sdelay $0x1  }
0x4c: {  	v3 =	vperm.xlane v3, v2;
	v4 =	vadd.s32 v1, v4;
	_ =	sdelay $0x1  }
0x4d: {  	v3 =	vadd.s32 v1, v3;
	_ =	sdelay $0x1  }
0x4e: {  	s7 =	simm.s32 $0x4100  }
0x4f: {  	[tilespmem:s7], [sflag:$0x1] =	stream.indirect_vreg.gather [hbm4b:s2+s3], $0x80, v4, vm0, $0xb8;
	[tilespmem:$0x10100] =	vst v63  }
0x50: {  	_ = 	snop  }
0x51: {  	[tilespmem:s8], [sflag:$0x1] =	stream.indirect_vreg.gather [hbm4b:s2+s3], $0x80, v3, vm0, $0xb8;
	[tilespmem:$0x10100] =	vst v63  }
0x52: {  	v3 =	vld [tilespmem:$0x50];
	_ =	sdelay $0x4  }
0x53: {  	v53 =	vshll.u32 v3, $0x1  }
0x54: {  	v3 =	vand.u32 $0x7, v3;
	v4 =	vand.u32 $0xFFFFFFF0, v53  }
0x55: {  	v3 =	vor.u32 v3, v4  }
0x56: {  	v4 =	vperm.xlane v3, v0;
	_ =	sdelay $0x1  }
0x57: {  	v3 =	vperm.xlane v3, v2;
	v4 =	vadd.s32 v1, v4;
	_ =	sdelay $0x1  }
0x58: {  	v3 =	vadd.s32 v1, v3;
	_ =	sdelay $0x2  }
0x59: {  	[tilespmem:s9], [sflag:$0x1] =	stream.indirect_vreg.gather [hbm4b:s2+s3], $0x80, v4, vm0, $0xb8;
	[tilespmem:$0x10100] =	vst v63  }
0x5a: {  	_ = 	snop  }
0x5b: {  	[tilespmem:s10], [sflag:$0x1] =	stream.indirect_vreg.gather [hbm4b:s2+s3], $0x80, v3, vm0, $0xb8;
	[tilespmem:$0x10100] =	vst v63  }
0x5c: {  	v3 =	vld [tilespmem:$0x60];
	_ =	sdelay $0x4  }
0x5d: {  	v54 =	vshll.u32 v3, $0x1  }
0x5e: {  	v3 =	vand.u32 $0x7, v3;
	v4 =	vand.u32 $0xFFFFFFF0, v54  }
0x5f: {  	v3 =	vor.u32 v3, v4  }
0x60: {  	v4 =	vperm.xlane v3, v0;
	_ =	sdelay $0x1  }
0x61: {  	v3 =	vperm.xlane v3, v2;
	v4 =	vadd.s32 v1, v4;
	_ =	sdelay $0x1  }
0x62: {  	v3 =	vadd.s32 v1, v3;
	_ =	sdelay $0x2  }
0x63: {  	[tilespmem:s11], [sflag:$0x1] =	stream.indirect_vreg.gather [hbm4b:s2+s3], $0x80, v4, vm0, $0xb8;
	[tilespmem:$0x10100] =	vst v63  }
0x64: {  	_ = 	snop  }
0x65: {  	[tilespmem:s12], [sflag:$0x1] =	stream.indirect_vreg.gather [hbm4b:s2+s3], $0x80, v3, vm0, $0xb8;
	[tilespmem:$0x10100] =	vst v63  }
0x66: {  	v3 =	vld [tilespmem:$0x70];
	_ =	sdelay $0x4  }
0x67: {  	v55 =	vshll.u32 v3, $0x1  }
0x68: {  	v3 =	vand.u32 $0x7, v3;
	v4 =	vand.u32 $0xFFFFFFF0, v55  }
0x69: {  	v3 =	vor.u32 v3, v4  }
0x6a: {  	v4 =	vperm.xlane v3, v0;
	_ =	sdelay $0x1  }
0x6b: {  	v3 =	vperm.xlane v3, v2;
	v4 =	vadd.s32 v1, v4;
	_ =	sdelay $0x1  }
0x6c: {  	v3 =	vadd.s32 v1, v3;
	_ =	sdelay $0x2  }
0x6d: {  	[tilespmem:s13], [sflag:$0x1] =	stream.indirect_vreg.gather [hbm4b:s2+s3], $0x80, v4, vm0, $0xb8;
	[tilespmem:$0x10100] =	vst v63  }
0x6e: {  	_ = 	snop  }
0x6f: {  	[tilespmem:s14], [sflag:$0x1] =	stream.indirect_vreg.gather [hbm4b:s2+s3], $0x80, v3, vm0, $0xb8;
	[tilespmem:$0x10100] =	vst v63  }
0x70: {  	v3 =	vld [tilespmem:$0x80];
	_ =	sdelay $0x4  }
0x71: {  	v56 =	vshll.u32 v3, $0x1  }
0x72: {  	v3 =	vand.u32 $0x7, v3;
	v4 =	vand.u32 $0xFFFFFFF0, v56  }
0x73: {  	v3 =	vor.u32 v3, v4  }
0x74: {  	v4 =	vperm.xlane v3, v0;
	_ =	sdelay $0x1  }
0x75: {  	v3 =	vperm.xlane v3, v2;
	v4 =	vadd.s32 v1, v4;
	_ =	sdelay $0x1  }
0x76: {  	v3 =	vadd.s32 v1, v3;
	_ =	sdelay $0x2  }
0x77: {  	[tilespmem:s15], [sflag:$0x1] =	stream.indirect_vreg.gather [hbm4b:s2+s3], $0x80, v4, vm0, $0xb8;
	[tilespmem:$0x10100] =	vst v63  }
0x78: {  	_ = 	snop  }
0x79: {  	[tilespmem:s16], [sflag:$0x1] =	stream.indirect_vreg.gather [hbm4b:s2+s3], $0x80, v3, vm0, $0xb8;
	[tilespmem:$0x10100] =	vst v63  }
0x7a: {  	v3 =	vld [tilespmem:$0x90];
	_ =	sdelay $0x4  }
0x7b: {  	v57 =	vshll.u32 v3, $0x1  }
0x7c: {  	v3 =	vand.u32 $0x7, v3;
	v4 =	vand.u32 $0xFFFFFFF0, v57  }
0x7d: {  	v3 =	vor.u32 v3, v4  }
0x7e: {  	v4 =	vperm.xlane v3, v0;
	_ =	sdelay $0x1  }
0x7f: {  	v3 =	vperm.xlane v3, v2;
	v4 =	vadd.s32 v1, v4;
	_ =	sdelay $0x1  }
0x80: {  	v3 =	vadd.s32 v1, v3;
	_ =	sdelay $0x2  }
0x81: {  	[tilespmem:s17], [sflag:$0x1] =	stream.indirect_vreg.gather [hbm4b:s2+s3], $0x80, v4, vm0, $0xb8;
	[tilespmem:$0x10100] =	vst v63  }
0x82: {  	_ = 	snop  }
0x83: {  	[tilespmem:s18], [sflag:$0x1] =	stream.indirect_vreg.gather [hbm4b:s2+s3], $0x80, v3, vm0, $0xb8;
	[tilespmem:$0x10100] =	vst v63  }
0x84: {  	v3 =	vld [tilespmem:$0xA0];
	_ =	sdelay $0x4  }
0x85: {  	v58 =	vshll.u32 v3, $0x1  }
0x86: {  	v3 =	vand.u32 $0x7, v3;
	v4 =	vand.u32 $0xFFFFFFF0, v58  }
0x87: {  	v3 =	vor.u32 v3, v4  }
0x88: {  	v4 =	vperm.xlane v3, v0;
	_ =	sdelay $0x1  }
0x89: {  	v3 =	vperm.xlane v3, v2;
	v4 =	vadd.s32 v1, v4;
	_ =	sdelay $0x1  }
0x8a: {  	v3 =	vadd.s32 v1, v3;
	_ =	sdelay $0x2  }
0x8b: {  	[tilespmem:s19], [sflag:$0x1] =	stream.indirect_vreg.gather [hbm4b:s2+s3], $0x80, v4, vm0, $0xb8;
	[tilespmem:$0x10100] =	vst v63  }
0x8c: {  	_ = 	snop  }
0x8d: {  	[tilespmem:s20], [sflag:$0x1] =	stream.indirect_vreg.gather [hbm4b:s2+s3], $0x80, v3, vm0, $0xb8;
	[tilespmem:$0x10100] =	vst v63  }
0x8e: {  	v3 =	vld [tilespmem:$0xB0];
	_ =	sdelay $0x4  }
0x8f: {  	v59 =	vshll.u32 v3, $0x1  }
0x90: {  	v3 =	vand.u32 $0x7, v3;
	v4 =	vand.u32 $0xFFFFFFF0, v59  }
0x91: {  	v3 =	vor.u32 v3, v4  }
0x92: {  	v4 =	vperm.xlane v3, v0;
	_ =	sdelay $0x1  }
0x93: {  	v3 =	vperm.xlane v3, v2;
	v4 =	vadd.s32 v1, v4;
	_ =	sdelay $0x1  }
0x94: {  	v3 =	vadd.s32 v1, v3;
	_ =	sdelay $0x2  }
0x95: {  	[tilespmem:s21], [sflag:$0x1] =	stream.indirect_vreg.gather [hbm4b:s2+s3], $0x80, v4, vm0, $0xb8;
	[tilespmem:$0x10100] =	vst v63  }
0x96: {  	_ = 	snop  }
0x97: {  	[tilespmem:s22], [sflag:$0x1] =	stream.indirect_vreg.gather [hbm4b:s2+s3], $0x80, v3, vm0, $0xb8;
	[tilespmem:$0x10100] =	vst v63  }
0x98: {  	v3 =	vld [tilespmem:$0xC0];
	_ =	sdelay $0x4  }
0x99: {  	v60 =	vshll.u32 v3, $0x1  }
0x9a: {  	v3 =	vand.u32 $0x7, v3;
	v4 =	vand.u32 $0xFFFFFFF0, v60  }
0x9b: {  	v3 =	vor.u32 v3, v4  }
0x9c: {  	v4 =	vperm.xlane v3, v0;
	_ =	sdelay $0x1  }
0x9d: {  	v3 =	vperm.xlane v3, v2;
	v4 =	vadd.s32 v1, v4;
	_ =	sdelay $0x1  }
0x9e: {  	v3 =	vadd.s32 v1, v3;
	_ =	sdelay $0x2  }
0x9f: {  	[tilespmem:s23], [sflag:$0x1] =	stream.indirect_vreg.gather [hbm4b:s2+s3], $0x80, v4, vm0, $0xb8;
	[tilespmem:$0x10100] =	vst v63  }
0xa0: {  	_ = 	snop  }
0xa1: {  	[tilespmem:s24], [sflag:$0x1] =	stream.indirect_vreg.gather [hbm4b:s2+s3], $0x80, v3, vm0, $0xb8;
	[tilespmem:$0x10100] =	vst v63  }
0xa2: {  	v3 =	vld [tilespmem:$0xD0];
	_ =	sdelay $0x4  }
0xa3: {  	v61 =	vshll.u32 v3, $0x1  }
0xa4: {  	v3 =	vand.u32 $0x7, v3;
	v4 =	vand.u32 $0xFFFFFFF0, v61  }
0xa5: {  	v3 =	vor.u32 v3, v4  }
0xa6: {  	v4 =	vperm.xlane v3, v0;
	_ =	sdelay $0x1  }
0xa7: {  	v3 =	vperm.xlane v3, v2;
	v4 =	vadd.s32 v1, v4;
	_ =	sdelay $0x1  }
0xa8: {  	v3 =	vadd.s32 v1, v3;
	_ =	sdelay $0x2  }
0xa9: {  	[tilespmem:s25], [sflag:$0x1] =	stream.indirect_vreg.gather [hbm4b:s2+s3], $0x80, v4, vm0, $0xb8;
	[tilespmem:$0x10100] =	vst v63  }
0xaa: {  	_ = 	snop  }
0xab: {  	[tilespmem:s26], [sflag:$0x1] =	stream.indirect_vreg.gather [hbm4b:s2+s3], $0x80, v3, vm0, $0xb8;
	[tilespmem:$0x10100] =	vst v63  }
0xac: {  	v3 =	vld [tilespmem:$0xE0];
	_ =	sdelay $0x4  }
0xad: {  	v62 =	vshll.u32 v3, $0x1  }
0xae: {  	v3 =	vand.u32 $0x7, v3;
	v4 =	vand.u32 $0xFFFFFFF0, v62  }
0xaf: {  	v3 =	vor.u32 v3, v4  }
0xb0: {  	v4 =	vperm.xlane v3, v0;
	_ =	sdelay $0x1  }
0xb1: {  	v3 =	vperm.xlane v3, v2;
	v4 =	vadd.s32 v1, v4;
	_ =	sdelay $0x1  }
0xb2: {  	v3 =	vadd.s32 v1, v3;
	_ =	sdelay $0x2  }
0xb3: {  	[tilespmem:s28], [sflag:$0x1] =	stream.indirect_vreg.gather [hbm4b:s2+s3], $0x80, v4, vm0, $0xb8;
	[tilespmem:$0x10100] =	vst v63  }
0xb4: {  	_ = 	snop  }
0xb5: {  	[tilespmem:s29], [sflag:$0x1] =	stream.indirect_vreg.gather [hbm4b:s2+s3], $0x80, v3, vm0, $0xb8;
	[tilespmem:$0x10100] =	vst v63  }
0xb6: {  	v3 =	vld [tilespmem:$0xF0];
	_ =	sdelay $0x4  }
0xb7: {  	v63 =	vshll.u32 v3, $0x1  }
0xb8: {  	v3 =	vand.u32 $0x7, v3;
	v4 =	vand.u32 $0xFFFFFFF0, v63  }
0xb9: {  	v3 =	vor.u32 v3, v4  }
0xba: {  	v4 =	vperm.xlane v3, v0;
	_ =	sdelay $0x1  }
0xbb: {  	v3 =	vperm.xlane v3, v2;
	v4 =	vadd.s32 v1, v4;
	_ =	sdelay $0x1  }
0xbc: {  	v3 =	vadd.s32 v1, v3;
	_ =	sdelay $0x2  }
0xbd: {  	[tilespmem:s30], [sflag:$0x1] =	stream.indirect_vreg.gather [hbm4b:s2+s3], $0x80, v4, vm0, $0xb8;
	[tilespmem:$0x10100] =	vst v63  }
0xbe: {  	_ = 	snop  }
0xbf: {  	[tilespmem:s31], [sflag:$0x1] =	stream.indirect_vreg.gather [hbm4b:s2+s3], $0x80, v3, vm0, $0xb8;
	[tilespmem:$0x10100] =	vst v63  }
0xc0: {  	_ =	swait.ge [sflag:s1], $0x8000  }
0xc1: {  	[sflag:s1] =	ssyncset.done $0x0  }
0xc2: {  	[sflag:s1] =	ssyncadd.s32 $0xFFFF8000  }
0xc3: {  	_ =	swait.ge [sflag:s1], $0x8000  }
0xc4: {  	p0 =	sne.s32 s4, $0x1;
	[sflag:s1] =	ssyncset.done $0x0  }
.Ltmp0:
0xc5: {  	s7 =	rddreg [dreg:$0x4];
	[sflag:s1] =	ssyncadd.s32 $0xFFFF8000;
	(pc) =	sbr.rel @p0 .LBB2_1-.Ltmp0, $4  }
0xc6: {  	[hbm4b:s7+s3] =	stream.linear.scatter [tilespmem:s6], [sflag:$0x2], $0x10000, $0x38;
	[tilespmem:$0x10100] =	vst v63  }
0xc7: {  	_ =	swait.ge [sflag:s5], $0x10000  }
0xc8: {  	[sflag:s5] =	ssyncset.done $0x0  }
0xc9: {  	s4 =	sadd.s32 $0xFFFFFFFF, s4;
	[sflag:s5] =	ssyncadd.s32 $0xFFFF0000  }
0xca: {  	_ =	sfence.sel $0x180000  }
0xcb: {  	[bflag:$0x0] =	sbarrier.arrive $0xFFFF  }
0xcc: {  	_ =	strace $0x90000047  }
0xcd: {  	s0 =	stileid.u32;
	[bflag:$0x2] =	sbarrier.arrive $0xFFFF  }
0xce: {  	p0 =	sne.s32 s0, $0x0;
	s0 =	rddreg [dreg:$0x2]  }
0xcf: {  	s0 =	sadd.s32 @!p0 $0x100000, s0  }
0xd0: {  	[sflag:s0] =	ssyncadd.tile.s32 @!p0 $0x1;
	_ =	shalt  }
.Lfunc_end2:
_tile_overlayer_lowered:
.L_overlay_start_2:
0xd1: {  	(tag) =	ssettag $0x2  }
0xd2: {  	s0 =	rddreg [dreg:$0x0];
	s2 =	stileid.u32  }
0xd3: {  	s1 =	rddreg [dreg:$0x1];
	p0 =	sne.s32 s2, $0x0  }
0xd4: {  	s3 =	rddreg [dreg:$0x2];
	[bflag:$0x3] =	sbarrier.arrive $0xFFFF;
	s2 =	simm.s32 @!p0 $0x1C02  }
0xd5: {  	[timem:s3], [sflag:s2] =	dma.local @!p0 [hbm:s0], s1  }
0xd6: {  	s0 =	simm.s32 @!p0 $0x2  }
0xd7: {  	_ =	swait.ge @!p0 [sflag:s0], s1  }
0xd8: {  	s1 =	ssub.s32 @!p0 $0x0, s1;
	[sflag:s0] =	ssyncset.done @!p0 $0x0  }
0xd9: {  	[sflag:s0] =	ssyncadd.s32 @!p0 s1  }
0xda: {  	[bflag:$0x3] =	sbarrier.arrive $0xFFFF  }
0xdb: {  	_ =	shalt  }

</sc_bundles>
